<compile_context>
chip_gen: v7x
topology: tpu7x:2x2x1
jax: 0.10.2.dev20260603
libtpu: 0.0.44.dev20260713+nightly
codegen_flags: <defaults>
</compile_context>

<pallas_src>
import functools

import jax
import jax.numpy as jnp
from jax import lax
from jax.experimental import pallas as pl
from jax.experimental.pallas import tpu as pltpu
from jax.experimental.pallas import tpu_sc as plsc

NBUF = 5
CHUNK = 128
NC = 2
NS = 16
NW = NC * NS
HALF = 32


def _embed_body(cpw, seq_hbm, tl_hbm, tr_hbm, out_hbm, idx_v, bufl, bufr,
                *sems):
    gsems = sems[:NBUF]
    osems = sems[NBUF:]
    c = lax.axis_index("c")
    s = lax.axis_index("s")
    wid = s * NC + c
    row0 = wid * cpw * CHUNK

    pltpu.sync_copy(seq_hbm.at[wid], idx_v)

    def gathers(j, slot):
        lo = pltpu.make_async_copy(
            tl_hbm.at[idx_v.at[j]], bufl.at[slot], gsems[slot])
        hi = pltpu.make_async_copy(
            tr_hbm.at[idx_v.at[j]], bufr.at[slot], gsems[slot])
        return lo, hi

    for slot in range(NBUF):
        for cp in gathers(slot, slot):
            cp.start()

    def one_round(i, refill):
        writes = []
        for slot in range(NBUF):
            j = i * NBUF + slot
            lo, hi = gathers(j, slot)
            lo.wait()
            hi.wait()
            dst = out_hbm.at[pl.ds(row0 + j * CHUNK, CHUNK)]
            writes.append((
                pltpu.async_copy(bufl.at[slot], dst.at[:, pl.ds(0, HALF)],
                                 osems[slot]),
                pltpu.async_copy(bufr.at[slot], dst.at[:, pl.ds(HALF, HALF)],
                                 osems[slot]),
            ))
        for slot in range(NBUF):
            for w in writes[slot]:
                w.wait()
            if refill:
                for cp in gathers((i + 1) * NBUF + slot, slot):
                    cp.start()

    n_rounds = cpw // NBUF
    lax.fori_loop(0, n_rounds - 1, lambda i, _: (one_round(i, True), 0)[1], 0)
    one_round(n_rounds - 1, False)


@jax.jit
def _embed_call(seq3d, table_l, table_r):
    nw, cpw, lanes = seq3d.shape
    grid_kernel = pl.kernel(
        functools.partial(_embed_body, cpw),
        out_type=jax.ShapeDtypeStruct((NW * cpw * CHUNK, 2 * HALF),
                                      jnp.float32),
        mesh=plsc.VectorSubcoreMesh(
            core_axis_name="c", subcore_axis_name="s",
            num_cores=NC, num_subcores=NS,
        ),
        scratch_types=[
            pltpu.VMEM((cpw, CHUNK), jnp.int32),
            pltpu.VMEM((NBUF, CHUNK, HALF), jnp.float32),
            pltpu.VMEM((NBUF, CHUNK, HALF), jnp.float32),
        ] + [pltpu.SemaphoreType.DMA] * (2 * NBUF),
        compiler_params=pltpu.CompilerParams(
            use_tc_tiling_on_sc=False, needs_layout_passes=False
        ),
    )
    return grid_kernel(seq3d, table_l, table_r)


def kernel(seq, table):
    batch, seq_len = seq.shape
    total = batch * seq_len
    assert total % (NW * CHUNK * NBUF) == 0
    seq3d = seq.reshape(NW, total // (NW * CHUNK), CHUNK).astype(jnp.int32)
    out = _embed_call(seq3d, table[:, :HALF], table[:, HALF:])
    return out.reshape(batch, seq_len, table.shape[1])

# --- scband reference (transcript-rebuilt; emitter-appended) ---
"""Pipeline reference for scband-embedding-layer-9947144257878 (READ-ONLY COPY).

The authoritative reference and input builder live on the scoring server;
editing this copy changes nothing except your own understanding.
"""

import jax, jax.numpy as jnp
import numpy as np

VOCAB = 1000000
EMBED_DIM = 64
BATCH = 4096
SEQ_LEN = 50


def setup_inputs(seed: int = 0) -> dict:
    key = jax.random.key(seed)
    k_seq, k_tab = jax.random.split(key)
    seq = jax.random.randint(k_seq, (BATCH, SEQ_LEN), 0, VOCAB, dtype=jnp.int64 if jax.config.jax_enable_x64 else jnp.int32)
    table = jax.random.normal(k_tab, (VOCAB, EMBED_DIM), dtype=jnp.float32) * 0.02
    return {"seq": seq, "table": table}


def reference(seq, table):
    # EmbeddingLayer.forward: emb = self.emb(seq); SpatialDropout is identity at inference.
    emb = jnp.take(table, seq, axis=0)
    return emb

if __name__ == "__main__":
    import jax
    _d = setup_inputs()
    print(jax.jit(kernel)(*tuple(_d.values())))

</pallas_src>

<mosaic_0001>
#map = affine_map<(d0, d1) -> (0, 0, 0)>
#map1 = affine_map<(d0, d1) -> (0, 0)>
module attributes {stable_mosaic.version = 14 : i64} {
  func.func @_embed_body(%arg0: i32, %arg1: i32, %arg2: memref<32x50x128xi32, #tpu.memory_space<hbm>>, %arg3: memref<1000000x32xf32, #tpu.memory_space<hbm>>, %arg4: memref<1000000x32xf32, #tpu.memory_space<hbm>>, %arg5: memref<204800x64xf32, #tpu.memory_space<hbm>>, %arg6: memref<50x128xi32, #tpu.memory_space<vmem>>, %arg7: memref<5x128x32xf32, #tpu.memory_space<vmem>>, %arg8: memref<5x128x32xf32, #tpu.memory_space<vmem>>, %arg9: memref<!tpu.dma_semaphore, #tpu.memory_space<semaphore_mem>>, %arg10: memref<!tpu.dma_semaphore, #tpu.memory_space<semaphore_mem>>, %arg11: memref<!tpu.dma_semaphore, #tpu.memory_space<semaphore_mem>>, %arg12: memref<!tpu.dma_semaphore, #tpu.memory_space<semaphore_mem>>, %arg13: memref<!tpu.dma_semaphore, #tpu.memory_space<semaphore_mem>>, %arg14: memref<!tpu.dma_semaphore, #tpu.memory_space<semaphore_mem>>, %arg15: memref<!tpu.dma_semaphore, #tpu.memory_space<semaphore_mem>>, %arg16: memref<!tpu.dma_semaphore, #tpu.memory_space<semaphore_mem>>, %arg17: memref<!tpu.dma_semaphore, #tpu.memory_space<semaphore_mem>>, %arg18: memref<!tpu.dma_semaphore, #tpu.memory_space<semaphore_mem>>) attributes {dimension_semantics = [#tpu.dimension_semantics<core_parallel>, #tpu.dimension_semantics<subcore_parallel>], iteration_bounds = array<i64: 2, 16>, scalar_prefetch = 0 : i64, scratch_operands = 13 : i64, tpu.core_type = #tpu.core_type<sc_vector_subcore>, window_params = [{transform_indices = #map}, {transform_indices = #map1}, {transform_indices = #map1}, {transform_indices = #map1}]} {
    %mul3A = arith.constant 2 : i32
    %mul3A_0 = arith.muli %arg1, %mul3A : i32
    %add3A = arith.addi %mul3A_0, %arg0 : i32
    %mul3A_1 = arith.constant 50 : i32
    %mul3A_2 = arith.muli %add3A, %mul3A_1 : i32
    %mul3A_3 = arith.constant 128 : i32
    %mul3A_4 = arith.muli %mul3A_2, %mul3A_3 : i32
    "tpu.region"() ({
      %run_scoped3A = tpu.sem_alloc : memref<!tpu.dma_semaphore, #tpu.memory_space<semaphore_mem>>
      %dma_start3A_639 = arith.constant 0 : i32
      %dma_start3A_640 = arith.constant 0 : i32
      %dma_start3A_641 = tpu.memref_slice %arg2[%add3A, %dma_start3A_639, %dma_start3A_640] : memref<32x50x128xi32, #tpu.memory_space<hbm>> -> memref<1x50x128xi32, #tpu.memory_space<hbm>>
      %dma_start3A_642 = tpu.memref_squeeze %dma_start3A_641 : memref<1x50x128xi32, #tpu.memory_space<hbm>> -> memref<50x128xi32, #tpu.memory_space<hbm>>
      %dma_start3A_643 = arith.constant 0 : i32
      %dma_start3A_644 = arith.constant 0 : i32
      %dma_start3A_645 = tpu.memref_slice %arg2[%add3A, %dma_start3A_643, %dma_start3A_644] : memref<32x50x128xi32, #tpu.memory_space<hbm>> -> memref<1x50x128xi32, #tpu.memory_space<hbm>>
      %dma_start3A_646 = tpu.memref_squeeze %dma_start3A_645 : memref<1x50x128xi32, #tpu.memory_space<hbm>> -> memref<50x128xi32, #tpu.memory_space<hbm>>
      tpu.enqueue_dma source(%dma_start3A_646 : memref<50x128xi32, #tpu.memory_space<hbm>>) target(%arg6 : memref<50x128xi32, #tpu.memory_space<vmem>>) target_semaphore(%run_scoped3A : memref<!tpu.dma_semaphore, #tpu.memory_space<semaphore_mem>>)
      %dma_wait3A_647 = arith.constant 0 : i32
      %dma_wait3A_648 = arith.constant 0 : i32
      %dma_wait3A_649 = tpu.memref_slice %arg2[%add3A, %dma_wait3A_647, %dma_wait3A_648] : memref<32x50x128xi32, #tpu.memory_space<hbm>> -> memref<1x50x128xi32, #tpu.memory_space<hbm>>
      %dma_wait3A_650 = tpu.memref_squeeze %dma_wait3A_649 : memref<1x50x128xi32, #tpu.memory_space<hbm>> -> memref<50x128xi32, #tpu.memory_space<hbm>>
      %dma_wait3A_651 = arith.constant 0 : i32
      %dma_wait3A_652 = arith.constant 0 : i32
      %dma_wait3A_653 = tpu.memref_slice %arg2[%add3A, %dma_wait3A_651, %dma_wait3A_652] : memref<32x50x128xi32, #tpu.memory_space<hbm>> -> memref<1x50x128xi32, #tpu.memory_space<hbm>>
      %dma_wait3A_654 = tpu.memref_squeeze %dma_wait3A_653 : memref<1x50x128xi32, #tpu.memory_space<hbm>> -> memref<50x128xi32, #tpu.memory_space<hbm>>
      tpu.wait_dma2 semaphore(%run_scoped3A : memref<!tpu.dma_semaphore, #tpu.memory_space<semaphore_mem>>) src(%dma_wait3A_654 : memref<50x128xi32, #tpu.memory_space<hbm>>) dst(%arg6 : memref<50x128xi32, #tpu.memory_space<vmem>>)
      tpu.yield
    }) : () -> ()
    %dma_start3A = arith.constant 0 : i32
    %dma_start3A_5 = arith.constant 0 : i32
    %dma_start3A_6 = arith.constant 0 : i32
    %dma_start3A_7 = arith.constant 0 : i32
    %dma_start3A_8 = tpu.memref_slice %arg7[%dma_start3A_5, %dma_start3A_6, %dma_start3A_7] : memref<5x128x32xf32, #tpu.memory_space<vmem>> -> memref<1x128x32xf32, #tpu.memory_space<vmem>>
    %dma_start3A_9 = tpu.memref_squeeze %dma_start3A_8 : memref<1x128x32xf32, #tpu.memory_space<vmem>> -> memref<128x32xf32, #tpu.memory_space<vmem>>
    %dma_start3A_10 = arith.constant 0 : i32
    %dma_start3A_11 = tpu.memref_slice %arg6[%dma_start3A, %dma_start3A_10] : memref<50x128xi32, #tpu.memory_space<vmem>> -> memref<1x128xi32, #tpu.memory_space<vmem>>
    %dma_start3A_12 = tpu.memref_squeeze %dma_start3A_11 : memref<1x128xi32, #tpu.memory_space<vmem>> -> memref<128xi32, #tpu.memory_space<vmem>>
    %dma_start3A_13 = arith.constant 0 : i32
    %dma_start3A_14 = arith.constant 0 : i32
    %dma_start3A_15 = tpu.memref_slice %arg3[%dma_start3A_13, %dma_start3A_14] : memref<1000000x32xf32, #tpu.memory_space<hbm>> -> memref<1000000x32xf32, #tpu.memory_space<hbm>>
    tpu.enqueue_indirect_dma source(%dma_start3A_15 : memref<1000000x32xf32, #tpu.memory_space<hbm>>) target(%dma_start3A_9 : memref<128x32xf32, #tpu.memory_space<vmem>>) offsets(%dma_start3A_12 : memref<128xi32, #tpu.memory_space<vmem>>) semaphore(%arg9 : memref<!tpu.dma_semaphore, #tpu.memory_space<semaphore_mem>>)
    %dma_start3A_16 = arith.constant 0 : i32
    %dma_start3A_17 = arith.constant 0 : i32
    %dma_start3A_18 = arith.constant 0 : i32
    %dma_start3A_19 = arith.constant 0 : i32
    %dma_start3A_20 = tpu.memref_slice %arg8[%dma_start3A_17, %dma_start3A_18, %dma_start3A_19] : memref<5x128x32xf32, #tpu.memory_space<vmem>> -> memref<1x128x32xf32, #tpu.memory_space<vmem>>
    %dma_start3A_21 = tpu.memref_squeeze %dma_start3A_20 : memref<1x128x32xf32, #tpu.memory_space<vmem>> -> memref<128x32xf32, #tpu.memory_space<vmem>>
    %dma_start3A_22 = arith.constant 0 : i32
    %dma_start3A_23 = tpu.memref_slice %arg6[%dma_start3A_16, %dma_start3A_22] : memref<50x128xi32, #tpu.memory_space<vmem>> -> memref<1x128xi32, #tpu.memory_space<vmem>>
    %dma_start3A_24 = tpu.memref_squeeze %dma_start3A_23 : memref<1x128xi32, #tpu.memory_space<vmem>> -> memref<128xi32, #tpu.memory_space<vmem>>
    %dma_start3A_25 = arith.constant 0 : i32
    %dma_start3A_26 = arith.constant 0 : i32
    %dma_start3A_27 = tpu.memref_slice %arg4[%dma_start3A_25, %dma_start3A_26] : memref<1000000x32xf32, #tpu.memory_space<hbm>> -> memref<1000000x32xf32, #tpu.memory_space<hbm>>
    tpu.enqueue_indirect_dma source(%dma_start3A_27 : memref<1000000x32xf32, #tpu.memory_space<hbm>>) target(%dma_start3A_21 : memref<128x32xf32, #tpu.memory_space<vmem>>) offsets(%dma_start3A_24 : memref<128xi32, #tpu.memory_space<vmem>>) semaphore(%arg9 : memref<!tpu.dma_semaphore, #tpu.memory_space<semaphore_mem>>)
    %dma_start3A_28 = arith.constant 1 : i32
    %dma_start3A_29 = arith.constant 1 : i32
    %dma_start3A_30 = arith.constant 0 : i32
    %dma_start3A_31 = arith.constant 0 : i32
    %dma_start3A_32 = tpu.memref_slice %arg7[%dma_start3A_29, %dma_start3A_30, %dma_start3A_31] : memref<5x128x32xf32, #tpu.memory_space<vmem>> -> memref<1x128x32xf32, #tpu.memory_space<vmem>>
    %dma_start3A_33 = tpu.memref_squeeze %dma_start3A_32 : memref<1x128x32xf32, #tpu.memory_space<vmem>> -> memref<128x32xf32, #tpu.memory_space<vmem>>
    %dma_start3A_34 = arith.constant 0 : i32
    %dma_start3A_35 = tpu.memref_slice %arg6[%dma_start3A_28, %dma_start3A_34] : memref<50x128xi32, #tpu.memory_space<vmem>> -> memref<1x128xi32, #tpu.memory_space<vmem>>
    %dma_start3A_36 = tpu.memref_squeeze %dma_start3A_35 : memref<1x128xi32, #tpu.memory_space<vmem>> -> memref<128xi32, #tpu.memory_space<vmem>>
    %dma_start3A_37 = arith.constant 0 : i32
    %dma_start3A_38 = arith.constant 0 : i32
    %dma_start3A_39 = tpu.memref_slice %arg3[%dma_start3A_37, %dma_start3A_38] : memref<1000000x32xf32, #tpu.memory_space<hbm>> -> memref<1000000x32xf32, #tpu.memory_space<hbm>>
    tpu.enqueue_indirect_dma source(%dma_start3A_39 : memref<1000000x32xf32, #tpu.memory_space<hbm>>) target(%dma_start3A_33 : memref<128x32xf32, #tpu.memory_space<vmem>>) offsets(%dma_start3A_36 : memref<128xi32, #tpu.memory_space<vmem>>) semaphore(%arg10 : memref<!tpu.dma_semaphore, #tpu.memory_space<semaphore_mem>>)
    %dma_start3A_40 = arith.constant 1 : i32
    %dma_start3A_41 = arith.constant 1 : i32
    %dma_start3A_42 = arith.constant 0 : i32
    %dma_start3A_43 = arith.constant 0 : i32
    %dma_start3A_44 = tpu.memref_slice %arg8[%dma_start3A_41, %dma_start3A_42, %dma_start3A_43] : memref<5x128x32xf32, #tpu.memory_space<vmem>> -> memref<1x128x32xf32, #tpu.memory_space<vmem>>
    %dma_start3A_45 = tpu.memref_squeeze %dma_start3A_44 : memref<1x128x32xf32, #tpu.memory_space<vmem>> -> memref<128x32xf32, #tpu.memory_space<vmem>>
    %dma_start3A_46 = arith.constant 0 : i32
    %dma_start3A_47 = tpu.memref_slice %arg6[%dma_start3A_40, %dma_start3A_46] : memref<50x128xi32, #tpu.memory_space<vmem>> -> memref<1x128xi32, #tpu.memory_space<vmem>>
    %dma_start3A_48 = tpu.memref_squeeze %dma_start3A_47 : memref<1x128xi32, #tpu.memory_space<vmem>> -> memref<128xi32, #tpu.memory_space<vmem>>
    %dma_start3A_49 = arith.constant 0 : i32
    %dma_start3A_50 = arith.constant 0 : i32
    %dma_start3A_51 = tpu.memref_slice %arg4[%dma_start3A_49, %dma_start3A_50] : memref<1000000x32xf32, #tpu.memory_space<hbm>> -> memref<1000000x32xf32, #tpu.memory_space<hbm>>
    tpu.enqueue_indirect_dma source(%dma_start3A_51 : memref<1000000x32xf32, #tpu.memory_space<hbm>>) target(%dma_start3A_45 : memref<128x32xf32, #tpu.memory_space<vmem>>) offsets(%dma_start3A_48 : memref<128xi32, #tpu.memory_space<vmem>>) semaphore(%arg10 : memref<!tpu.dma_semaphore, #tpu.memory_space<semaphore_mem>>)
    %dma_start3A_52 = arith.constant 2 : i32
    %dma_start3A_53 = arith.constant 2 : i32
    %dma_start3A_54 = arith.constant 0 : i32
    %dma_start3A_55 = arith.constant 0 : i32
    %dma_start3A_56 = tpu.memref_slice %arg7[%dma_start3A_53, %dma_start3A_54, %dma_start3A_55] : memref<5x128x32xf32, #tpu.memory_space<vmem>> -> memref<1x128x32xf32, #tpu.memory_space<vmem>>
    %dma_start3A_57 = tpu.memref_squeeze %dma_start3A_56 : memref<1x128x32xf32, #tpu.memory_space<vmem>> -> memref<128x32xf32, #tpu.memory_space<vmem>>
    %dma_start3A_58 = arith.constant 0 : i32
    %dma_start3A_59 = tpu.memref_slice %arg6[%dma_start3A_52, %dma_start3A_58] : memref<50x128xi32, #tpu.memory_space<vmem>> -> memref<1x128xi32, #tpu.memory_space<vmem>>
    %dma_start3A_60 = tpu.memref_squeeze %dma_start3A_59 : memref<1x128xi32, #tpu.memory_space<vmem>> -> memref<128xi32, #tpu.memory_space<vmem>>
    %dma_start3A_61 = arith.constant 0 : i32
    %dma_start3A_62 = arith.constant 0 : i32
    %dma_start3A_63 = tpu.memref_slice %arg3[%dma_start3A_61, %dma_start3A_62] : memref<1000000x32xf32, #tpu.memory_space<hbm>> -> memref<1000000x32xf32, #tpu.memory_space<hbm>>
    tpu.enqueue_indirect_dma source(%dma_start3A_63 : memref<1000000x32xf32, #tpu.memory_space<hbm>>) target(%dma_start3A_57 : memref<128x32xf32, #tpu.memory_space<vmem>>) offsets(%dma_start3A_60 : memref<128xi32, #tpu.memory_space<vmem>>) semaphore(%arg11 : memref<!tpu.dma_semaphore, #tpu.memory_space<semaphore_mem>>)
    %dma_start3A_64 = arith.constant 2 : i32
    %dma_start3A_65 = arith.constant 2 : i32
    %dma_start3A_66 = arith.constant 0 : i32
    %dma_start3A_67 = arith.constant 0 : i32
    %dma_start3A_68 = tpu.memref_slice %arg8[%dma_start3A_65, %dma_start3A_66, %dma_start3A_67] : memref<5x128x32xf32, #tpu.memory_space<vmem>> -> memref<1x128x32xf32, #tpu.memory_space<vmem>>
    %dma_start3A_69 = tpu.memref_squeeze %dma_start3A_68 : memref<1x128x32xf32, #tpu.memory_space<vmem>> -> memref<128x32xf32, #tpu.memory_space<vmem>>
    %dma_start3A_70 = arith.constant 0 : i32
    %dma_start3A_71 = tpu.memref_slice %arg6[%dma_start3A_64, %dma_start3A_70] : memref<50x128xi32, #tpu.memory_space<vmem>> -> memref<1x128xi32, #tpu.memory_space<vmem>>
    %dma_start3A_72 = tpu.memref_squeeze %dma_start3A_71 : memref<1x128xi32, #tpu.memory_space<vmem>> -> memref<128xi32, #tpu.memory_space<vmem>>
    %dma_start3A_73 = arith.constant 0 : i32
    %dma_start3A_74 = arith.constant 0 : i32
    %dma_start3A_75 = tpu.memref_slice %arg4[%dma_start3A_73, %dma_start3A_74] : memref<1000000x32xf32, #tpu.memory_space<hbm>> -> memref<1000000x32xf32, #tpu.memory_space<hbm>>
    tpu.enqueue_indirect_dma source(%dma_start3A_75 : memref<1000000x32xf32, #tpu.memory_space<hbm>>) target(%dma_start3A_69 : memref<128x32xf32, #tpu.memory_space<vmem>>) offsets(%dma_start3A_72 : memref<128xi32, #tpu.memory_space<vmem>>) semaphore(%arg11 : memref<!tpu.dma_semaphore, #tpu.memory_space<semaphore_mem>>)
    %dma_start3A_76 = arith.constant 3 : i32
    %dma_start3A_77 = arith.constant 3 : i32
    %dma_start3A_78 = arith.constant 0 : i32
    %dma_start3A_79 = arith.constant 0 : i32
    %dma_start3A_80 = tpu.memref_slice %arg7[%dma_start3A_77, %dma_start3A_78, %dma_start3A_79] : memref<5x128x32xf32, #tpu.memory_space<vmem>> -> memref<1x128x32xf32, #tpu.memory_space<vmem>>
    %dma_start3A_81 = tpu.memref_squeeze %dma_start3A_80 : memref<1x128x32xf32, #tpu.memory_space<vmem>> -> memref<128x32xf32, #tpu.memory_space<vmem>>
    %dma_start3A_82 = arith.constant 0 : i32
    %dma_start3A_83 = tpu.memref_slice %arg6[%dma_start3A_76, %dma_start3A_82] : memref<50x128xi32, #tpu.memory_space<vmem>> -> memref<1x128xi32, #tpu.memory_space<vmem>>
    %dma_start3A_84 = tpu.memref_squeeze %dma_start3A_83 : memref<1x128xi32, #tpu.memory_space<vmem>> -> memref<128xi32, #tpu.memory_space<vmem>>
    %dma_start3A_85 = arith.constant 0 : i32
    %dma_start3A_86 = arith.constant 0 : i32
    %dma_start3A_87 = tpu.memref_slice %arg3[%dma_start3A_85, %dma_start3A_86] : memref<1000000x32xf32, #tpu.memory_space<hbm>> -> memref<1000000x32xf32, #tpu.memory_space<hbm>>
    tpu.enqueue_indirect_dma source(%dma_start3A_87 : memref<1000000x32xf32, #tpu.memory_space<hbm>>) target(%dma_start3A_81 : memref<128x32xf32, #tpu.memory_space<vmem>>) offsets(%dma_start3A_84 : memref<128xi32, #tpu.memory_space<vmem>>) semaphore(%arg12 : memref<!tpu.dma_semaphore, #tpu.memory_space<semaphore_mem>>)
    %dma_start3A_88 = arith.constant 3 : i32
    %dma_start3A_89 = arith.constant 3 : i32
    %dma_start3A_90 = arith.constant 0 : i32
    %dma_start3A_91 = arith.constant 0 : i32
    %dma_start3A_92 = tpu.memref_slice %arg8[%dma_start3A_89, %dma_start3A_90, %dma_start3A_91] : memref<5x128x32xf32, #tpu.memory_space<vmem>> -> memref<1x128x32xf32, #tpu.memory_space<vmem>>
    %dma_start3A_93 = tpu.memref_squeeze %dma_start3A_92 : memref<1x128x32xf32, #tpu.memory_space<vmem>> -> memref<128x32xf32, #tpu.memory_space<vmem>>
    %dma_start3A_94 = arith.constant 0 : i32
    %dma_start3A_95 = tpu.memref_slice %arg6[%dma_start3A_88, %dma_start3A_94] : memref<50x128xi32, #tpu.memory_space<vmem>> -> memref<1x128xi32, #tpu.memory_space<vmem>>
    %dma_start3A_96 = tpu.memref_squeeze %dma_start3A_95 : memref<1x128xi32, #tpu.memory_space<vmem>> -> memref<128xi32, #tpu.memory_space<vmem>>
    %dma_start3A_97 = arith.constant 0 : i32
    %dma_start3A_98 = arith.constant 0 : i32
    %dma_start3A_99 = tpu.memref_slice %arg4[%dma_start3A_97, %dma_start3A_98] : memref<1000000x32xf32, #tpu.memory_space<hbm>> -> memref<1000000x32xf32, #tpu.memory_space<hbm>>
    tpu.enqueue_indirect_dma source(%dma_start3A_99 : memref<1000000x32xf32, #tpu.memory_space<hbm>>) target(%dma_start3A_93 : memref<128x32xf32, #tpu.memory_space<vmem>>) offsets(%dma_start3A_96 : memref<128xi32, #tpu.memory_space<vmem>>) semaphore(%arg12 : memref<!tpu.dma_semaphore, #tpu.memory_space<semaphore_mem>>)
    %dma_start3A_100 = arith.constant 4 : i32
    %dma_start3A_101 = arith.constant 4 : i32
    %dma_start3A_102 = arith.constant 0 : i32
    %dma_start3A_103 = arith.constant 0 : i32
    %dma_start3A_104 = tpu.memref_slice %arg7[%dma_start3A_101, %dma_start3A_102, %dma_start3A_103] : memref<5x128x32xf32, #tpu.memory_space<vmem>> -> memref<1x128x32xf32, #tpu.memory_space<vmem>>
    %dma_start3A_105 = tpu.memref_squeeze %dma_start3A_104 : memref<1x128x32xf32, #tpu.memory_space<vmem>> -> memref<128x32xf32, #tpu.memory_space<vmem>>
    %dma_start3A_106 = arith.constant 0 : i32
    %dma_start3A_107 = tpu.memref_slice %arg6[%dma_start3A_100, %dma_start3A_106] : memref<50x128xi32, #tpu.memory_space<vmem>> -> memref<1x128xi32, #tpu.memory_space<vmem>>
    %dma_start3A_108 = tpu.memref_squeeze %dma_start3A_107 : memref<1x128xi32, #tpu.memory_space<vmem>> -> memref<128xi32, #tpu.memory_space<vmem>>
    %dma_start3A_109 = arith.constant 0 : i32
    %dma_start3A_110 = arith.constant 0 : i32
    %dma_start3A_111 = tpu.memref_slice %arg3[%dma_start3A_109, %dma_start3A_110] : memref<1000000x32xf32, #tpu.memory_space<hbm>> -> memref<1000000x32xf32, #tpu.memory_space<hbm>>
    tpu.enqueue_indirect_dma source(%dma_start3A_111 : memref<1000000x32xf32, #tpu.memory_space<hbm>>) target(%dma_start3A_105 : memref<128x32xf32, #tpu.memory_space<vmem>>) offsets(%dma_start3A_108 : memref<128xi32, #tpu.memory_space<vmem>>) semaphore(%arg13 : memref<!tpu.dma_semaphore, #tpu.memory_space<semaphore_mem>>)
    %dma_start3A_112 = arith.constant 4 : i32
    %dma_start3A_113 = arith.constant 4 : i32
    %dma_start3A_114 = arith.constant 0 : i32
    %dma_start3A_115 = arith.constant 0 : i32
    %dma_start3A_116 = tpu.memref_slice %arg8[%dma_start3A_113, %dma_start3A_114, %dma_start3A_115] : memref<5x128x32xf32, #tpu.memory_space<vmem>> -> memref<1x128x32xf32, #tpu.memory_space<vmem>>
    %dma_start3A_117 = tpu.memref_squeeze %dma_start3A_116 : memref<1x128x32xf32, #tpu.memory_space<vmem>> -> memref<128x32xf32, #tpu.memory_space<vmem>>
    %dma_start3A_118 = arith.constant 0 : i32
    %dma_start3A_119 = tpu.memref_slice %arg6[%dma_start3A_112, %dma_start3A_118] : memref<50x128xi32, #tpu.memory_space<vmem>> -> memref<1x128xi32, #tpu.memory_space<vmem>>
    %dma_start3A_120 = tpu.memref_squeeze %dma_start3A_119 : memref<1x128xi32, #tpu.memory_space<vmem>> -> memref<128xi32, #tpu.memory_space<vmem>>
    %dma_start3A_121 = arith.constant 0 : i32
    %dma_start3A_122 = arith.constant 0 : i32
    %dma_start3A_123 = tpu.memref_slice %arg4[%dma_start3A_121, %dma_start3A_122] : memref<1000000x32xf32, #tpu.memory_space<hbm>> -> memref<1000000x32xf32, #tpu.memory_space<hbm>>
    tpu.enqueue_indirect_dma source(%dma_start3A_123 : memref<1000000x32xf32, #tpu.memory_space<hbm>>) target(%dma_start3A_117 : memref<128x32xf32, #tpu.memory_space<vmem>>) offsets(%dma_start3A_120 : memref<128xi32, #tpu.memory_space<vmem>>) semaphore(%arg13 : memref<!tpu.dma_semaphore, #tpu.memory_space<semaphore_mem>>)
    %scan3A = arith.constant 0 : i32
    %scan3A_124 = arith.constant 0 : i32
    %scan3A_125 = arith.constant 9 : i32
    %scan3A_126 = arith.addi %scan3A_124, %scan3A_125 : i32
    %scan3A_127 = arith.constant 1 : i32
    %scan3A_128 = scf.for %scan3A_639 = %scan3A_124 to %scan3A_126 step %scan3A_127 iter_args(%scan3A_640 = %scan3A) -> (i32)  : i32 {
      %mul3A_641 = arith.constant 5 : i32
      %mul3A_642 = arith.muli %scan3A_639, %mul3A_641 : i32
      %add3A_643 = arith.constant 0 : i32
      %add3A_644 = arith.addi %mul3A_642, %add3A_643 : i32
      %dma_wait3A_645 = arith.constant 0 : i32
      %dma_wait3A_646 = arith.constant 0 : i32
      %dma_wait3A_647 = arith.constant 0 : i32
      %dma_wait3A_648 = tpu.memref_slice %arg7[%dma_wait3A_645, %dma_wait3A_646, %dma_wait3A_647] : memref<5x128x32xf32, #tpu.memory_space<vmem>> -> memref<1x128x32xf32, #tpu.memory_space<vmem>>
      %dma_wait3A_649 = tpu.memref_squeeze %dma_wait3A_648 : memref<1x128x32xf32, #tpu.memory_space<vmem>> -> memref<128x32xf32, #tpu.memory_space<vmem>>
      %dma_wait3A_650 = arith.constant 0 : i32
      %dma_wait3A_651 = tpu.memref_slice %arg6[%add3A_644, %dma_wait3A_650] : memref<50x128xi32, #tpu.memory_space<vmem>> -> memref<1x128xi32, #tpu.memory_space<vmem>>
      %dma_wait3A_652 = tpu.memref_squeeze %dma_wait3A_651 : memref<1x128xi32, #tpu.memory_space<vmem>> -> memref<128xi32, #tpu.memory_space<vmem>>
      %dma_wait3A_653 = arith.constant 0 : i32
      %dma_wait3A_654 = arith.constant 0 : i32
      %dma_wait3A_655 = tpu.memref_slice %arg3[%dma_wait3A_653, %dma_wait3A_654] : memref<1000000x32xf32, #tpu.memory_space<hbm>> -> memref<1000000x32xf32, #tpu.memory_space<hbm>>
      tpu.wait_indirect_dma semaphore(%arg9 : memref<!tpu.dma_semaphore, #tpu.memory_space<semaphore_mem>>) src(%dma_wait3A_655 : memref<1000000x32xf32, #tpu.memory_space<hbm>>) dst(%dma_wait3A_649 : memref<128x32xf32, #tpu.memory_space<vmem>>)
      %dma_wait3A_656 = arith.constant 0 : i32
      %dma_wait3A_657 = arith.constant 0 : i32
      %dma_wait3A_658 = arith.constant 0 : i32
      %dma_wait3A_659 = tpu.memref_slice %arg8[%dma_wait3A_656, %dma_wait3A_657, %dma_wait3A_658] : memref<5x128x32xf32, #tpu.memory_space<vmem>> -> memref<1x128x32xf32, #tpu.memory_space<vmem>>
      %dma_wait3A_660 = tpu.memref_squeeze %dma_wait3A_659 : memref<1x128x32xf32, #tpu.memory_space<vmem>> -> memref<128x32xf32, #tpu.memory_space<vmem>>
      %dma_wait3A_661 = arith.constant 0 : i32
      %dma_wait3A_662 = tpu.memref_slice %arg6[%add3A_644, %dma_wait3A_661] : memref<50x128xi32, #tpu.memory_space<vmem>> -> memref<1x128xi32, #tpu.memory_space<vmem>>
      %dma_wait3A_663 = tpu.memref_squeeze %dma_wait3A_662 : memref<1x128xi32, #tpu.memory_space<vmem>> -> memref<128xi32, #tpu.memory_space<vmem>>
      %dma_wait3A_664 = arith.constant 0 : i32
      %dma_wait3A_665 = arith.constant 0 : i32
      %dma_wait3A_666 = tpu.memref_slice %arg4[%dma_wait3A_664, %dma_wait3A_665] : memref<1000000x32xf32, #tpu.memory_space<hbm>> -> memref<1000000x32xf32, #tpu.memory_space<hbm>>
      tpu.wait_indirect_dma semaphore(%arg9 : memref<!tpu.dma_semaphore, #tpu.memory_space<semaphore_mem>>) src(%dma_wait3A_666 : memref<1000000x32xf32, #tpu.memory_space<hbm>>) dst(%dma_wait3A_660 : memref<128x32xf32, #tpu.memory_space<vmem>>)
      %mul3A_667 = arith.constant 128 : i32
      %mul3A_668 = arith.muli %add3A_644, %mul3A_667 : i32
      %add3A_669 = arith.addi %mul3A_4, %mul3A_668 : i32
      %dma_start3A_670 = arith.constant 0 : i32
      %dma_start3A_671 = arith.constant 0 : i32
      %dma_start3A_672 = arith.constant 0 : i32
      %dma_start3A_673 = tpu.memref_slice %arg7[%dma_start3A_670, %dma_start3A_671, %dma_start3A_672] : memref<5x128x32xf32, #tpu.memory_space<vmem>> -> memref<1x128x32xf32, #tpu.memory_space<vmem>>
      %dma_start3A_674 = tpu.memref_squeeze %dma_start3A_673 : memref<1x128x32xf32, #tpu.memory_space<vmem>> -> memref<128x32xf32, #tpu.memory_space<vmem>>
      %dma_start3A_675 = arith.constant 0 : i32
      %dma_start3A_676 = tpu.memref_slice %arg5[%add3A_669, %dma_start3A_675] : memref<204800x64xf32, #tpu.memory_space<hbm>> -> memref<128x64xf32, #tpu.memory_space<hbm>>
      %dma_start3A_677 = arith.constant 0 : i32
      %dma_start3A_678 = arith.constant 0 : i32
      %dma_start3A_679 = tpu.memref_slice %dma_start3A_676[%dma_start3A_677, %dma_start3A_678] : memref<128x64xf32, #tpu.memory_space<hbm>> -> memref<128x32xf32, #tpu.memory_space<hbm>>
      %dma_start3A_680 = arith.constant 0 : i32
      %dma_start3A_681 = tpu.memref_slice %arg5[%add3A_669, %dma_start3A_680] : memref<204800x64xf32, #tpu.memory_space<hbm>> -> memref<128x64xf32, #tpu.memory_space<hbm>>
      %dma_start3A_682 = arith.constant 0 : i32
      %dma_start3A_683 = arith.constant 0 : i32
      %dma_start3A_684 = tpu.memref_slice %dma_start3A_681[%dma_start3A_682, %dma_start3A_683] : memref<128x64xf32, #tpu.memory_space<hbm>> -> memref<128x32xf32, #tpu.memory_space<hbm>>
      %dma_start3A_685 = arith.constant 0 : i32
      %dma_start3A_686 = arith.constant 0 : i32
      %dma_start3A_687 = tpu.memref_slice %arg7[%dma_start3A_670, %dma_start3A_685, %dma_start3A_686] : memref<5x128x32xf32, #tpu.memory_space<vmem>> -> memref<1x128x32xf32, #tpu.memory_space<vmem>>
      %dma_start3A_688 = tpu.memref_squeeze %dma_start3A_687 : memref<1x128x32xf32, #tpu.memory_space<vmem>> -> memref<128x32xf32, #tpu.memory_space<vmem>>
      tpu.enqueue_dma source(%dma_start3A_688 : memref<128x32xf32, #tpu.memory_space<vmem>>) target(%dma_start3A_684 : memref<128x32xf32, #tpu.memory_space<hbm>>) target_semaphore(%arg14 : memref<!tpu.dma_semaphore, #tpu.memory_space<semaphore_mem>>)
      %dma_start3A_689 = arith.constant 0 : i32
      %dma_start3A_690 = arith.constant 0 : i32
      %dma_start3A_691 = arith.constant 0 : i32
      %dma_start3A_692 = tpu.memref_slice %arg8[%dma_start3A_689, %dma_start3A_690, %dma_start3A_691] : memref<5x128x32xf32, #tpu.memory_space<vmem>> -> memref<1x128x32xf32, #tpu.memory_space<vmem>>
      %dma_start3A_693 = tpu.memref_squeeze %dma_start3A_692 : memref<1x128x32xf32, #tpu.memory_space<vmem>> -> memref<128x32xf32, #tpu.memory_space<vmem>>
      %dma_start3A_694 = arith.constant 0 : i32
      %dma_start3A_695 = tpu.memref_slice %arg5[%add3A_669, %dma_start3A_694] : memref<204800x64xf32, #tpu.memory_space<hbm>> -> memref<128x64xf32, #tpu.memory_space<hbm>>
      %dma_start3A_696 = arith.constant 0 : i32
      %dma_start3A_697 = arith.constant 32 : i32
      %dma_start3A_698 = tpu.memref_slice %dma_start3A_695[%dma_start3A_696, %dma_start3A_697] : memref<128x64xf32, #tpu.memory_space<hbm>> -> memref<128x32xf32, #tpu.memory_space<hbm>>
      %dma_start3A_699 = arith.constant 0 : i32
      %dma_start3A_700 = tpu.memref_slice %arg5[%add3A_669, %dma_start3A_699] : memref<204800x64xf32, #tpu.memory_space<hbm>> -> memref<128x64xf32, #tpu.memory_space<hbm>>
      %dma_start3A_701 = arith.constant 0 : i32
      %dma_start3A_702 = arith.constant 32 : i32
      %dma_start3A_703 = tpu.memref_slice %dma_start3A_700[%dma_start3A_701, %dma_start3A_702] : memref<128x64xf32, #tpu.memory_space<hbm>> -> memref<128x32xf32, #tpu.memory_space<hbm>>
      %dma_start3A_704 = arith.constant 0 : i32
      %dma_start3A_705 = arith.constant 0 : i32
      %dma_start3A_706 = tpu.memref_slice %arg8[%dma_start3A_689, %dma_start3A_704, %dma_start3A_705] : memref<5x128x32xf32, #tpu.memory_space<vmem>> -> memref<1x128x32xf32, #tpu.memory_space<vmem>>
      %dma_start3A_707 = tpu.memref_squeeze %dma_start3A_706 : memref<1x128x32xf32, #tpu.memory_space<vmem>> -> memref<128x32xf32, #tpu.memory_space<vmem>>
      tpu.enqueue_dma source(%dma_start3A_707 : memref<128x32xf32, #tpu.memory_space<vmem>>) target(%dma_start3A_703 : memref<128x32xf32, #tpu.memory_space<hbm>>) target_semaphore(%arg14 : memref<!tpu.dma_semaphore, #tpu.memory_space<semaphore_mem>>)
      %mul3A_708 = arith.constant 5 : i32
      %mul3A_709 = arith.muli %scan3A_639, %mul3A_708 : i32
      %add3A_710 = arith.constant 1 : i32
      %add3A_711 = arith.addi %mul3A_709, %add3A_710 : i32
      %dma_wait3A_712 = arith.constant 1 : i32
      %dma_wait3A_713 = arith.constant 0 : i32
      %dma_wait3A_714 = arith.constant 0 : i32
      %dma_wait3A_715 = tpu.memref_slice %arg7[%dma_wait3A_712, %dma_wait3A_713, %dma_wait3A_714] : memref<5x128x32xf32, #tpu.memory_space<vmem>> -> memref<1x128x32xf32, #tpu.memory_space<vmem>>
      %dma_wait3A_716 = tpu.memref_squeeze %dma_wait3A_715 : memref<1x128x32xf32, #tpu.memory_space<vmem>> -> memref<128x32xf32, #tpu.memory_space<vmem>>
      %dma_wait3A_717 = arith.constant 0 : i32
      %dma_wait3A_718 = tpu.memref_slice %arg6[%add3A_711, %dma_wait3A_717] : memref<50x128xi32, #tpu.memory_space<vmem>> -> memref<1x128xi32, #tpu.memory_space<vmem>>
      %dma_wait3A_719 = tpu.memref_squeeze %dma_wait3A_718 : memref<1x128xi32, #tpu.memory_space<vmem>> -> memref<128xi32, #tpu.memory_space<vmem>>
      %dma_wait3A_720 = arith.constant 0 : i32
      %dma_wait3A_721 = arith.constant 0 : i32
      %dma_wait3A_722 = tpu.memref_slice %arg3[%dma_wait3A_720, %dma_wait3A_721] : memref<1000000x32xf32, #tpu.memory_space<hbm>> -> memref<1000000x32xf32, #tpu.memory_space<hbm>>
      tpu.wait_indirect_dma semaphore(%arg10 : memref<!tpu.dma_semaphore, #tpu.memory_space<semaphore_mem>>) src(%dma_wait3A_722 : memref<1000000x32xf32, #tpu.memory_space<hbm>>) dst(%dma_wait3A_716 : memref<128x32xf32, #tpu.memory_space<vmem>>)
      %dma_wait3A_723 = arith.constant 1 : i32
      %dma_wait3A_724 = arith.constant 0 : i32
      %dma_wait3A_725 = arith.constant 0 : i32
      %dma_wait3A_726 = tpu.memref_slice %arg8[%dma_wait3A_723, %dma_wait3A_724, %dma_wait3A_725] : memref<5x128x32xf32, #tpu.memory_space<vmem>> -> memref<1x128x32xf32, #tpu.memory_space<vmem>>
      %dma_wait3A_727 = tpu.memref_squeeze %dma_wait3A_726 : memref<1x128x32xf32, #tpu.memory_space<vmem>> -> memref<128x32xf32, #tpu.memory_space<vmem>>
      %dma_wait3A_728 = arith.constant 0 : i32
      %dma_wait3A_729 = tpu.memref_slice %arg6[%add3A_711, %dma_wait3A_728] : memref<50x128xi32, #tpu.memory_space<vmem>> -> memref<1x128xi32, #tpu.memory_space<vmem>>
      %dma_wait3A_730 = tpu.memref_squeeze %dma_wait3A_729 : memref<1x128xi32, #tpu.memory_space<vmem>> -> memref<128xi32, #tpu.memory_space<vmem>>
      %dma_wait3A_731 = arith.constant 0 : i32
      %dma_wait3A_732 = arith.constant 0 : i32
      %dma_wait3A_733 = tpu.memref_slice %arg4[%dma_wait3A_731, %dma_wait3A_732] : memref<1000000x32xf32, #tpu.memory_space<hbm>> -> memref<1000000x32xf32, #tpu.memory_space<hbm>>
      tpu.wait_indirect_dma semaphore(%arg10 : memref<!tpu.dma_semaphore, #tpu.memory_space<semaphore_mem>>) src(%dma_wait3A_733 : memref<1000000x32xf32, #tpu.memory_space<hbm>>) dst(%dma_wait3A_727 : memref<128x32xf32, #tpu.memory_space<vmem>>)
      %mul3A_734 = arith.constant 128 : i32
      %mul3A_735 = arith.muli %add3A_711, %mul3A_734 : i32
      %add3A_736 = arith.addi %mul3A_4, %mul3A_735 : i32
      %dma_start3A_737 = arith.constant 1 : i32
      %dma_start3A_738 = arith.constant 0 : i32
      %dma_start3A_739 = arith.constant 0 : i32
      %dma_start3A_740 = tpu.memref_slice %arg7[%dma_start3A_737, %dma_start3A_738, %dma_start3A_739] : memref<5x128x32xf32, #tpu.memory_space<vmem>> -> memref<1x128x32xf32, #tpu.memory_space<vmem>>
      %dma_start3A_741 = tpu.memref_squeeze %dma_start3A_740 : memref<1x128x32xf32, #tpu.memory_space<vmem>> -> memref<128x32xf32, #tpu.memory_space<vmem>>
      %dma_start3A_742 = arith.constant 0 : i32
      %dma_start3A_743 = tpu.memref_slice %arg5[%add3A_736, %dma_start3A_742] : memref<204800x64xf32, #tpu.memory_space<hbm>> -> memref<128x64xf32, #tpu.memory_space<hbm>>
      %dma_start3A_744 = arith.constant 0 : i32
      %dma_start3A_745 = arith.constant 0 : i32
      %dma_start3A_746 = tpu.memref_slice %dma_start3A_743[%dma_start3A_744, %dma_start3A_745] : memref<128x64xf32, #tpu.memory_space<hbm>> -> memref<128x32xf32, #tpu.memory_space<hbm>>
      %dma_start3A_747 = arith.constant 0 : i32
      %dma_start3A_748 = tpu.memref_slice %arg5[%add3A_736, %dma_start3A_747] : memref<204800x64xf32, #tpu.memory_space<hbm>> -> memref<128x64xf32, #tpu.memory_space<hbm>>
      %dma_start3A_749 = arith.constant 0 : i32
      %dma_start3A_750 = arith.constant 0 : i32
      %dma_start3A_751 = tpu.memref_slice %dma_start3A_748[%dma_start3A_749, %dma_start3A_750] : memref<128x64xf32, #tpu.memory_space<hbm>> -> memref<128x32xf32, #tpu.memory_space<hbm>>
      %dma_start3A_752 = arith.constant 0 : i32
      %dma_start3A_753 = arith.constant 0 : i32
      %dma_start3A_754 = tpu.memref_slice %arg7[%dma_start3A_737, %dma_start3A_752, %dma_start3A_753] : memref<5x128x32xf32, #tpu.memory_space<vmem>> -> memref<1x128x32xf32, #tpu.memory_space<vmem>>
      %dma_start3A_755 = tpu.memref_squeeze %dma_start3A_754 : memref<1x128x32xf32, #tpu.memory_space<vmem>> -> memref<128x32xf32, #tpu.memory_space<vmem>>
      tpu.enqueue_dma source(%dma_start3A_755 : memref<128x32xf32, #tpu.memory_space<vmem>>) target(%dma_start3A_751 : memref<128x32xf32, #tpu.memory_space<hbm>>) target_semaphore(%arg15 : memref<!tpu.dma_semaphore, #tpu.memory_space<semaphore_mem>>)
      %dma_start3A_756 = arith.constant 1 : i32
      %dma_start3A_757 = arith.constant 0 : i32
      %dma_start3A_758 = arith.constant 0 : i32
      %dma_start3A_759 = tpu.memref_slice %arg8[%dma_start3A_756, %dma_start3A_757, %dma_start3A_758] : memref<5x128x32xf32, #tpu.memory_space<vmem>> -> memref<1x128x32xf32, #tpu.memory_space<vmem>>
      %dma_start3A_760 = tpu.memref_squeeze %dma_start3A_759 : memref<1x128x32xf32, #tpu.memory_space<vmem>> -> memref<128x32xf32, #tpu.memory_space<vmem>>
      %dma_start3A_761 = arith.constant 0 : i32
      %dma_start3A_762 = tpu.memref_slice %arg5[%add3A_736, %dma_start3A_761] : memref<204800x64xf32, #tpu.memory_space<hbm>> -> memref<128x64xf32, #tpu.memory_space<hbm>>
      %dma_start3A_763 = arith.constant 0 : i32
      %dma_start3A_764 = arith.constant 32 : i32
      %dma_start3A_765 = tpu.memref_slice %dma_start3A_762[%dma_start3A_763, %dma_start3A_764] : memref<128x64xf32, #tpu.memory_space<hbm>> -> memref<128x32xf32, #tpu.memory_space<hbm>>
      %dma_start3A_766 = arith.constant 0 : i32
      %dma_start3A_767 = tpu.memref_slice %arg5[%add3A_736, %dma_start3A_766] : memref<204800x64xf32, #tpu.memory_space<hbm>> -> memref<128x64xf32, #tpu.memory_space<hbm>>
      %dma_start3A_768 = arith.constant 0 : i32
      %dma_start3A_769 = arith.constant 32 : i32
      %dma_start3A_770 = tpu.memref_slice %dma_start3A_767[%dma_start3A_768, %dma_start3A_769] : memref<128x64xf32, #tpu.memory_space<hbm>> -> memref<128x32xf32, #tpu.memory_space<hbm>>
      %dma_start3A_771 = arith.constant 0 : i32
      %dma_start3A_772 = arith.constant 0 : i32
      %dma_start3A_773 = tpu.memref_slice %arg8[%dma_start3A_756, %dma_start3A_771, %dma_start3A_772] : memref<5x128x32xf32, #tpu.memory_space<vmem>> -> memref<1x128x32xf32, #tpu.memory_space<vmem>>
      %dma_start3A_774 = tpu.memref_squeeze %dma_start3A_773 : memref<1x128x32xf32, #tpu.memory_space<vmem>> -> memref<128x32xf32, #tpu.memory_space<vmem>>
      tpu.enqueue_dma source(%dma_start3A_774 : memref<128x32xf32, #tpu.memory_space<vmem>>) target(%dma_start3A_770 : memref<128x32xf32, #tpu.memory_space<hbm>>) target_semaphore(%arg15 : memref<!tpu.dma_semaphore, #tpu.memory_space<semaphore_mem>>)
      %mul3A_775 = arith.constant 5 : i32
      %mul3A_776 = arith.muli %scan3A_639, %mul3A_775 : i32
      %add3A_777 = arith.constant 2 : i32
      %add3A_778 = arith.addi %mul3A_776, %add3A_777 : i32
      %dma_wait3A_779 = arith.constant 2 : i32
      %dma_wait3A_780 = arith.constant 0 : i32
      %dma_wait3A_781 = arith.constant 0 : i32
      %dma_wait3A_782 = tpu.memref_slice %arg7[%dma_wait3A_779, %dma_wait3A_780, %dma_wait3A_781] : memref<5x128x32xf32, #tpu.memory_space<vmem>> -> memref<1x128x32xf32, #tpu.memory_space<vmem>>
      %dma_wait3A_783 = tpu.memref_squeeze %dma_wait3A_782 : memref<1x128x32xf32, #tpu.memory_space<vmem>> -> memref<128x32xf32, #tpu.memory_space<vmem>>
      %dma_wait3A_784 = arith.constant 0 : i32
      %dma_wait3A_785 = tpu.memref_slice %arg6[%add3A_778, %dma_wait3A_784] : memref<50x128xi32, #tpu.memory_space<vmem>> -> memref<1x128xi32, #tpu.memory_space<vmem>>
      %dma_wait3A_786 = tpu.memref_squeeze %dma_wait3A_785 : memref<1x128xi32, #tpu.memory_space<vmem>> -> memref<128xi32, #tpu.memory_space<vmem>>
      %dma_wait3A_787 = arith.constant 0 : i32
      %dma_wait3A_788 = arith.constant 0 : i32
      %dma_wait3A_789 = tpu.memref_slice %arg3[%dma_wait3A_787, %dma_wait3A_788] : memref<1000000x32xf32, #tpu.memory_space<hbm>> -> memref<1000000x32xf32, #tpu.memory_space<hbm>>
      tpu.wait_indirect_dma semaphore(%arg11 : memref<!tpu.dma_semaphore, #tpu.memory_space<semaphore_mem>>) src(%dma_wait3A_789 : memref<1000000x32xf32, #tpu.memory_space<hbm>>) dst(%dma_wait3A_783 : memref<128x32xf32, #tpu.memory_space<vmem>>)
      %dma_wait3A_790 = arith.constant 2 : i32
      %dma_wait3A_791 = arith.constant 0 : i32
      %dma_wait3A_792 = arith.constant 0 : i32
      %dma_wait3A_793 = tpu.memref_slice %arg8[%dma_wait3A_790, %dma_wait3A_791, %dma_wait3A_792] : memref<5x128x32xf32, #tpu.memory_space<vmem>> -> memref<1x128x32xf32, #tpu.memory_space<vmem>>
      %dma_wait3A_794 = tpu.memref_squeeze %dma_wait3A_793 : memref<1x128x32xf32, #tpu.memory_space<vmem>> -> memref<128x32xf32, #tpu.memory_space<vmem>>
      %dma_wait3A_795 = arith.constant 0 : i32
      %dma_wait3A_796 = tpu.memref_slice %arg6[%add3A_778, %dma_wait3A_795] : memref<50x128xi32, #tpu.memory_space<vmem>> -> memref<1x128xi32, #tpu.memory_space<vmem>>
      %dma_wait3A_797 = tpu.memref_squeeze %dma_wait3A_796 : memref<1x128xi32, #tpu.memory_space<vmem>> -> memref<128xi32, #tpu.memory_space<vmem>>
      %dma_wait3A_798 = arith.constant 0 : i32
      %dma_wait3A_799 = arith.constant 0 : i32
      %dma_wait3A_800 = tpu.memref_slice %arg4[%dma_wait3A_798, %dma_wait3A_799] : memref<1000000x32xf32, #tpu.memory_space<hbm>> -> memref<1000000x32xf32, #tpu.memory_space<hbm>>
      tpu.wait_indirect_dma semaphore(%arg11 : memref<!tpu.dma_semaphore, #tpu.memory_space<semaphore_mem>>) src(%dma_wait3A_800 : memref<1000000x32xf32, #tpu.memory_space<hbm>>) dst(%dma_wait3A_794 : memref<128x32xf32, #tpu.memory_space<vmem>>)
      %mul3A_801 = arith.constant 128 : i32
      %mul3A_802 = arith.muli %add3A_778, %mul3A_801 : i32
      %add3A_803 = arith.addi %mul3A_4, %mul3A_802 : i32
      %dma_start3A_804 = arith.constant 2 : i32
      %dma_start3A_805 = arith.constant 0 : i32
      %dma_start3A_806 = arith.constant 0 : i32
      %dma_start3A_807 = tpu.memref_slice %arg7[%dma_start3A_804, %dma_start3A_805, %dma_start3A_806] : memref<5x128x32xf32, #tpu.memory_space<vmem>> -> memref<1x128x32xf32, #tpu.memory_space<vmem>>
      %dma_start3A_808 = tpu.memref_squeeze %dma_start3A_807 : memref<1x128x32xf32, #tpu.memory_space<vmem>> -> memref<128x32xf32, #tpu.memory_space<vmem>>
      %dma_start3A_809 = arith.constant 0 : i32
      %dma_start3A_810 = tpu.memref_slice %arg5[%add3A_803, %dma_start3A_809] : memref<204800x64xf32, #tpu.memory_space<hbm>> -> memref<128x64xf32, #tpu.memory_space<hbm>>
      %dma_start3A_811 = arith.constant 0 : i32
      %dma_start3A_812 = arith.constant 0 : i32
      %dma_start3A_813 = tpu.memref_slice %dma_start3A_810[%dma_start3A_811, %dma_start3A_812] : memref<128x64xf32, #tpu.memory_space<hbm>> -> memref<128x32xf32, #tpu.memory_space<hbm>>
      %dma_start3A_814 = arith.constant 0 : i32
      %dma_start3A_815 = tpu.memref_slice %arg5[%add3A_803, %dma_start3A_814] : memref<204800x64xf32, #tpu.memory_space<hbm>> -> memref<128x64xf32, #tpu.memory_space<hbm>>
      %dma_start3A_816 = arith.constant 0 : i32
      %dma_start3A_817 = arith.constant 0 : i32
      %dma_start3A_818 = tpu.memref_slice %dma_start3A_815[%dma_start3A_816, %dma_start3A_817] : memref<128x64xf32, #tpu.memory_space<hbm>> -> memref<128x32xf32, #tpu.memory_space<hbm>>
      %dma_start3A_819 = arith.constant 0 : i32
      %dma_start3A_820 = arith.constant 0 : i32
      %dma_start3A_821 = tpu.memref_slice %arg7[%dma_start3A_804, %dma_start3A_819, %dma_start3A_820] : memref<5x128x32xf32, #tpu.memory_space<vmem>> -> memref<1x128x32xf32, #tpu.memory_space<vmem>>
      %dma_start3A_822 = tpu.memref_squeeze %dma_start3A_821 : memref<1x128x32xf32, #tpu.memory_space<vmem>> -> memref<128x32xf32, #tpu.memory_space<vmem>>
      tpu.enqueue_dma source(%dma_start3A_822 : memref<128x32xf32, #tpu.memory_space<vmem>>) target(%dma_start3A_818 : memref<128x32xf32, #tpu.memory_space<hbm>>) target_semaphore(%arg16 : memref<!tpu.dma_semaphore, #tpu.memory_space<semaphore_mem>>)
      %dma_start3A_823 = arith.constant 2 : i32
      %dma_start3A_824 = arith.constant 0 : i32
      %dma_start3A_825 = arith.constant 0 : i32
      %dma_start3A_826 = tpu.memref_slice %arg8[%dma_start3A_823, %dma_start3A_824, %dma_start3A_825] : memref<5x128x32xf32, #tpu.memory_space<vmem>> -> memref<1x128x32xf32, #tpu.memory_space<vmem>>
      %dma_start3A_827 = tpu.memref_squeeze %dma_start3A_826 : memref<1x128x32xf32, #tpu.memory_space<vmem>> -> memref<128x32xf32, #tpu.memory_space<vmem>>
      %dma_start3A_828 = arith.constant 0 : i32
      %dma_start3A_829 = tpu.memref_slice %arg5[%add3A_803, %dma_start3A_828] : memref<204800x64xf32, #tpu.memory_space<hbm>> -> memref<128x64xf32, #tpu.memory_space<hbm>>
      %dma_start3A_830 = arith.constant 0 : i32
      %dma_start3A_831 = arith.constant 32 : i32
      %dma_start3A_832 = tpu.memref_slice %dma_start3A_829[%dma_start3A_830, %dma_start3A_831] : memref<128x64xf32, #tpu.memory_space<hbm>> -> memref<128x32xf32, #tpu.memory_space<hbm>>
      %dma_start3A_833 = arith.constant 0 : i32
      %dma_start3A_834 = tpu.memref_slice %arg5[%add3A_803, %dma_start3A_833] : memref<204800x64xf32, #tpu.memory_space<hbm>> -> memref<128x64xf32, #tpu.memory_space<hbm>>
      %dma_start3A_835 = arith.constant 0 : i32
      %dma_start3A_836 = arith.constant 32 : i32
      %dma_start3A_837 = tpu.memref_slice %dma_start3A_834[%dma_start3A_835, %dma_start3A_836] : memref<128x64xf32, #tpu.memory_space<hbm>> -> memref<128x32xf32, #tpu.memory_space<hbm>>
      %dma_start3A_838 = arith.constant 0 : i32
      %dma_start3A_839 = arith.constant 0 : i32
      %dma_start3A_840 = tpu.memref_slice %arg8[%dma_start3A_823, %dma_start3A_838, %dma_start3A_839] : memref<5x128x32xf32, #tpu.memory_space<vmem>> -> memref<1x128x32xf32, #tpu.memory_space<vmem>>
      %dma_start3A_841 = tpu.memref_squeeze %dma_start3A_840 : memref<1x128x32xf32, #tpu.memory_space<vmem>> -> memref<128x32xf32, #tpu.memory_space<vmem>>
      tpu.enqueue_dma source(%dma_start3A_841 : memref<128x32xf32, #tpu.memory_space<vmem>>) target(%dma_start3A_837 : memref<128x32xf32, #tpu.memory_space<hbm>>) target_semaphore(%arg16 : memref<!tpu.dma_semaphore, #tpu.memory_space<semaphore_mem>>)
      %mul3A_842 = arith.constant 5 : i32
      %mul3A_843 = arith.muli %scan3A_639, %mul3A_842 : i32
      %add3A_844 = arith.constant 3 : i32
      %add3A_845 = arith.addi %mul3A_843, %add3A_844 : i32
      %dma_wait3A_846 = arith.constant 3 : i32
      %dma_wait3A_847 = arith.constant 0 : i32
      %dma_wait3A_848 = arith.constant 0 : i32
      %dma_wait3A_849 = tpu.memref_slice %arg7[%dma_wait3A_846, %dma_wait3A_847, %dma_wait3A_848] : memref<5x128x32xf32, #tpu.memory_space<vmem>> -> memref<1x128x32xf32, #tpu.memory_space<vmem>>
      %dma_wait3A_850 = tpu.memref_squeeze %dma_wait3A_849 : memref<1x128x32xf32, #tpu.memory_space<vmem>> -> memref<128x32xf32, #tpu.memory_space<vmem>>
      %dma_wait3A_851 = arith.constant 0 : i32
      %dma_wait3A_852 = tpu.memref_slice %arg6[%add3A_845, %dma_wait3A_851] : memref<50x128xi32, #tpu.memory_space<vmem>> -> memref<1x128xi32, #tpu.memory_space<vmem>>
      %dma_wait3A_853 = tpu.memref_squeeze %dma_wait3A_852 : memref<1x128xi32, #tpu.memory_space<vmem>> -> memref<128xi32, #tpu.memory_space<vmem>>
      %dma_wait3A_854 = arith.constant 0 : i32
      %dma_wait3A_855 = arith.constant 0 : i32
      %dma_wait3A_856 = tpu.memref_slice %arg3[%dma_wait3A_854, %dma_wait3A_855] : memref<1000000x32xf32, #tpu.memory_space<hbm>> -> memref<1000000x32xf32, #tpu.memory_space<hbm>>
      tpu.wait_indirect_dma semaphore(%arg12 : memref<!tpu.dma_semaphore, #tpu.memory_space<semaphore_mem>>) src(%dma_wait3A_856 : memref<1000000x32xf32, #tpu.memory_space<hbm>>) dst(%dma_wait3A_850 : memref<128x32xf32, #tpu.memory_space<vmem>>)
      %dma_wait3A_857 = arith.constant 3 : i32
      %dma_wait3A_858 = arith.constant 0 : i32
      %dma_wait3A_859 = arith.constant 0 : i32
      %dma_wait3A_860 = tpu.memref_slice %arg8[%dma_wait3A_857, %dma_wait3A_858, %dma_wait3A_859] : memref<5x128x32xf32, #tpu.memory_space<vmem>> -> memref<1x128x32xf32, #tpu.memory_space<vmem>>
      %dma_wait3A_861 = tpu.memref_squeeze %dma_wait3A_860 : memref<1x128x32xf32, #tpu.memory_space<vmem>> -> memref<128x32xf32, #tpu.memory_space<vmem>>
      %dma_wait3A_862 = arith.constant 0 : i32
      %dma_wait3A_863 = tpu.memref_slice %arg6[%add3A_845, %dma_wait3A_862] : memref<50x128xi32, #tpu.memory_space<vmem>> -> memref<1x128xi32, #tpu.memory_space<vmem>>
      %dma_wait3A_864 = tpu.memref_squeeze %dma_wait3A_863 : memref<1x128xi32, #tpu.memory_space<vmem>> -> memref<128xi32, #tpu.memory_space<vmem>>
      %dma_wait3A_865 = arith.constant 0 : i32
      %dma_wait3A_866 = arith.constant 0 : i32
      %dma_wait3A_867 = tpu.memref_slice %arg4[%dma_wait3A_865, %dma_wait3A_866] : memref<1000000x32xf32, #tpu.memory_space<hbm>> -> memref<1000000x32xf32, #tpu.memory_space<hbm>>
      tpu.wait_indirect_dma semaphore(%arg12 : memref<!tpu.dma_semaphore, #tpu.memory_space<semaphore_mem>>) src(%dma_wait3A_867 : memref<1000000x32xf32, #tpu.memory_space<hbm>>) dst(%dma_wait3A_861 : memref<128x32xf32, #tpu.memory_space<vmem>>)
      %mul3A_868 = arith.constant 128 : i32
      %mul3A_869 = arith.muli %add3A_845, %mul3A_868 : i32
      %add3A_870 = arith.addi %mul3A_4, %mul3A_869 : i32
      %dma_start3A_871 = arith.constant 3 : i32
      %dma_start3A_872 = arith.constant 0 : i32
      %dma_start3A_873 = arith.constant 0 : i32
      %dma_start3A_874 = tpu.memref_slice %arg7[%dma_start3A_871, %dma_start3A_872, %dma_start3A_873] : memref<5x128x32xf32, #tpu.memory_space<vmem>> -> memref<1x128x32xf32, #tpu.memory_space<vmem>>
      %dma_start3A_875 = tpu.memref_squeeze %dma_start3A_874 : memref<1x128x32xf32, #tpu.memory_space<vmem>> -> memref<128x32xf32, #tpu.memory_space<vmem>>
      %dma_start3A_876 = arith.constant 0 : i32
      %dma_start3A_877 = tpu.memref_slice %arg5[%add3A_870, %dma_start3A_876] : memref<204800x64xf32, #tpu.memory_space<hbm>> -> memref<128x64xf32, #tpu.memory_space<hbm>>
      %dma_start3A_878 = arith.constant 0 : i32
      %dma_start3A_879 = arith.constant 0 : i32
      %dma_start3A_880 = tpu.memref_slice %dma_start3A_877[%dma_start3A_878, %dma_start3A_879] : memref<128x64xf32, #tpu.memory_space<hbm>> -> memref<128x32xf32, #tpu.memory_space<hbm>>
      %dma_start3A_881 = arith.constant 0 : i32
      %dma_start3A_882 = tpu.memref_slice %arg5[%add3A_870, %dma_start3A_881] : memref<204800x64xf32, #tpu.memory_space<hbm>> -> memref<128x64xf32, #tpu.memory_space<hbm>>
      %dma_start3A_883 = arith.constant 0 : i32
      %dma_start3A_884 = arith.constant 0 : i32
      %dma_start3A_885 = tpu.memref_slice %dma_start3A_882[%dma_start3A_883, %dma_start3A_884] : memref<128x64xf32, #tpu.memory_space<hbm>> -> memref<128x32xf32, #tpu.memory_space<hbm>>
      %dma_start3A_886 = arith.constant 0 : i32
      %dma_start3A_887 = arith.constant 0 : i32
      %dma_start3A_888 = tpu.memref_slice %arg7[%dma_start3A_871, %dma_start3A_886, %dma_start3A_887] : memref<5x128x32xf32, #tpu.memory_space<vmem>> -> memref<1x128x32xf32, #tpu.memory_space<vmem>>
      %dma_start3A_889 = tpu.memref_squeeze %dma_start3A_888 : memref<1x128x32xf32, #tpu.memory_space<vmem>> -> memref<128x32xf32, #tpu.memory_space<vmem>>
      tpu.enqueue_dma source(%dma_start3A_889 : memref<128x32xf32, #tpu.memory_space<vmem>>) target(%dma_start3A_885 : memref<128x32xf32, #tpu.memory_space<hbm>>) target_semaphore(%arg17 : memref<!tpu.dma_semaphore, #tpu.memory_space<semaphore_mem>>)
      %dma_start3A_890 = arith.constant 3 : i32
      %dma_start3A_891 = arith.constant 0 : i32
      %dma_start3A_892 = arith.constant 0 : i32
      %dma_start3A_893 = tpu.memref_slice %arg8[%dma_start3A_890, %dma_start3A_891, %dma_start3A_892] : memref<5x128x32xf32, #tpu.memory_space<vmem>> -> memref<1x128x32xf32, #tpu.memory_space<vmem>>
      %dma_start3A_894 = tpu.memref_squeeze %dma_start3A_893 : memref<1x128x32xf32, #tpu.memory_space<vmem>> -> memref<128x32xf32, #tpu.memory_space<vmem>>
      %dma_start3A_895 = arith.constant 0 : i32
      %dma_start3A_896 = tpu.memref_slice %arg5[%add3A_870, %dma_start3A_895] : memref<204800x64xf32, #tpu.memory_space<hbm>> -> memref<128x64xf32, #tpu.memory_space<hbm>>
      %dma_start3A_897 = arith.constant 0 : i32
      %dma_start3A_898 = arith.constant 32 : i32
      %dma_start3A_899 = tpu.memref_slice %dma_start3A_896[%dma_start3A_897, %dma_start3A_898] : memref<128x64xf32, #tpu.memory_space<hbm>> -> memref<128x32xf32, #tpu.memory_space<hbm>>
      %dma_start3A_900 = arith.constant 0 : i32
      %dma_start3A_901 = tpu.memref_slice %arg5[%add3A_870, %dma_start3A_900] : memref<204800x64xf32, #tpu.memory_space<hbm>> -> memref<128x64xf32, #tpu.memory_space<hbm>>
      %dma_start3A_902 = arith.constant 0 : i32
      %dma_start3A_903 = arith.constant 32 : i32
      %dma_start3A_904 = tpu.memref_slice %dma_start3A_901[%dma_start3A_902, %dma_start3A_903] : memref<128x64xf32, #tpu.memory_space<hbm>> -> memref<128x32xf32, #tpu.memory_space<hbm>>
      %dma_start3A_905 = arith.constant 0 : i32
      %dma_start3A_906 = arith.constant 0 : i32
      %dma_start3A_907 = tpu.memref_slice %arg8[%dma_start3A_890, %dma_start3A_905, %dma_start3A_906] : memref<5x128x32xf32, #tpu.memory_space<vmem>> -> memref<1x128x32xf32, #tpu.memory_space<vmem>>
      %dma_start3A_908 = tpu.memref_squeeze %dma_start3A_907 : memref<1x128x32xf32, #tpu.memory_space<vmem>> -> memref<128x32xf32, #tpu.memory_space<vmem>>
      tpu.enqueue_dma source(%dma_start3A_908 : memref<128x32xf32, #tpu.memory_space<vmem>>) target(%dma_start3A_904 : memref<128x32xf32, #tpu.memory_space<hbm>>) target_semaphore(%arg17 : memref<!tpu.dma_semaphore, #tpu.memory_space<semaphore_mem>>)
      %mul3A_909 = arith.constant 5 : i32
      %mul3A_910 = arith.muli %scan3A_639, %mul3A_909 : i32
      %add3A_911 = arith.constant 4 : i32
      %add3A_912 = arith.addi %mul3A_910, %add3A_911 : i32
      %dma_wait3A_913 = arith.constant 4 : i32
      %dma_wait3A_914 = arith.constant 0 : i32
      %dma_wait3A_915 = arith.constant 0 : i32
      %dma_wait3A_916 = tpu.memref_slice %arg7[%dma_wait3A_913, %dma_wait3A_914, %dma_wait3A_915] : memref<5x128x32xf32, #tpu.memory_space<vmem>> -> memref<1x128x32xf32, #tpu.memory_space<vmem>>
      %dma_wait3A_917 = tpu.memref_squeeze %dma_wait3A_916 : memref<1x128x32xf32, #tpu.memory_space<vmem>> -> memref<128x32xf32, #tpu.memory_space<vmem>>
      %dma_wait3A_918 = arith.constant 0 : i32
      %dma_wait3A_919 = tpu.memref_slice %arg6[%add3A_912, %dma_wait3A_918] : memref<50x128xi32, #tpu.memory_space<vmem>> -> memref<1x128xi32, #tpu.memory_space<vmem>>
      %dma_wait3A_920 = tpu.memref_squeeze %dma_wait3A_919 : memref<1x128xi32, #tpu.memory_space<vmem>> -> memref<128xi32, #tpu.memory_space<vmem>>
      %dma_wait3A_921 = arith.constant 0 : i32
      %dma_wait3A_922 = arith.constant 0 : i32
      %dma_wait3A_923 = tpu.memref_slice %arg3[%dma_wait3A_921, %dma_wait3A_922] : memref<1000000x32xf32, #tpu.memory_space<hbm>> -> memref<1000000x32xf32, #tpu.memory_space<hbm>>
      tpu.wait_indirect_dma semaphore(%arg13 : memref<!tpu.dma_semaphore, #tpu.memory_space<semaphore_mem>>) src(%dma_wait3A_923 : memref<1000000x32xf32, #tpu.memory_space<hbm>>) dst(%dma_wait3A_917 : memref<128x32xf32, #tpu.memory_space<vmem>>)
      %dma_wait3A_924 = arith.constant 4 : i32
      %dma_wait3A_925 = arith.constant 0 : i32
      %dma_wait3A_926 = arith.constant 0 : i32
      %dma_wait3A_927 = tpu.memref_slice %arg8[%dma_wait3A_924, %dma_wait3A_925, %dma_wait3A_926] : memref<5x128x32xf32, #tpu.memory_space<vmem>> -> memref<1x128x32xf32, #tpu.memory_space<vmem>>
      %dma_wait3A_928 = tpu.memref_squeeze %dma_wait3A_927 : memref<1x128x32xf32, #tpu.memory_space<vmem>> -> memref<128x32xf32, #tpu.memory_space<vmem>>
      %dma_wait3A_929 = arith.constant 0 : i32
      %dma_wait3A_930 = tpu.memref_slice %arg6[%add3A_912, %dma_wait3A_929] : memref<50x128xi32, #tpu.memory_space<vmem>> -> memref<1x128xi32, #tpu.memory_space<vmem>>
      %dma_wait3A_931 = tpu.memref_squeeze %dma_wait3A_930 : memref<1x128xi32, #tpu.memory_space<vmem>> -> memref<128xi32, #tpu.memory_space<vmem>>
      %dma_wait3A_932 = arith.constant 0 : i32
      %dma_wait3A_933 = arith.constant 0 : i32
      %dma_wait3A_934 = tpu.memref_slice %arg4[%dma_wait3A_932, %dma_wait3A_933] : memref<1000000x32xf32, #tpu.memory_space<hbm>> -> memref<1000000x32xf32, #tpu.memory_space<hbm>>
      tpu.wait_indirect_dma semaphore(%arg13 : memref<!tpu.dma_semaphore, #tpu.memory_space<semaphore_mem>>) src(%dma_wait3A_934 : memref<1000000x32xf32, #tpu.memory_space<hbm>>) dst(%dma_wait3A_928 : memref<128x32xf32, #tpu.memory_space<vmem>>)
      %mul3A_935 = arith.constant 128 : i32
      %mul3A_936 = arith.muli %add3A_912, %mul3A_935 : i32
      %add3A_937 = arith.addi %mul3A_4, %mul3A_936 : i32
      %dma_start3A_938 = arith.constant 4 : i32
      %dma_start3A_939 = arith.constant 0 : i32
      %dma_start3A_940 = arith.constant 0 : i32
      %dma_start3A_941 = tpu.memref_slice %arg7[%dma_start3A_938, %dma_start3A_939, %dma_start3A_940] : memref<5x128x32xf32, #tpu.memory_space<vmem>> -> memref<1x128x32xf32, #tpu.memory_space<vmem>>
      %dma_start3A_942 = tpu.memref_squeeze %dma_start3A_941 : memref<1x128x32xf32, #tpu.memory_space<vmem>> -> memref<128x32xf32, #tpu.memory_space<vmem>>
      %dma_start3A_943 = arith.constant 0 : i32
      %dma_start3A_944 = tpu.memref_slice %arg5[%add3A_937, %dma_start3A_943] : memref<204800x64xf32, #tpu.memory_space<hbm>> -> memref<128x64xf32, #tpu.memory_space<hbm>>
      %dma_start3A_945 = arith.constant 0 : i32
      %dma_start3A_946 = arith.constant 0 : i32
      %dma_start3A_947 = tpu.memref_slice %dma_start3A_944[%dma_start3A_945, %dma_start3A_946] : memref<128x64xf32, #tpu.memory_space<hbm>> -> memref<128x32xf32, #tpu.memory_space<hbm>>
      %dma_start3A_948 = arith.constant 0 : i32
      %dma_start3A_949 = tpu.memref_slice %arg5[%add3A_937, %dma_start3A_948] : memref<204800x64xf32, #tpu.memory_space<hbm>> -> memref<128x64xf32, #tpu.memory_space<hbm>>
      %dma_start3A_950 = arith.constant 0 : i32
      %dma_start3A_951 = arith.constant 0 : i32
      %dma_start3A_952 = tpu.memref_slice %dma_start3A_949[%dma_start3A_950, %dma_start3A_951] : memref<128x64xf32, #tpu.memory_space<hbm>> -> memref<128x32xf32, #tpu.memory_space<hbm>>
      %dma_start3A_953 = arith.constant 0 : i32
      %dma_start3A_954 = arith.constant 0 : i32
      %dma_start3A_955 = tpu.memref_slice %arg7[%dma_start3A_938, %dma_start3A_953, %dma_start3A_954] : memref<5x128x32xf32, #tpu.memory_space<vmem>> -> memref<1x128x32xf32, #tpu.memory_space<vmem>>
      %dma_start3A_956 = tpu.memref_squeeze %dma_start3A_955 : memref<1x128x32xf32, #tpu.memory_space<vmem>> -> memref<128x32xf32, #tpu.memory_space<vmem>>
      tpu.enqueue_dma source(%dma_start3A_956 : memref<128x32xf32, #tpu.memory_space<vmem>>) target(%dma_start3A_952 : memref<128x32xf32, #tpu.memory_space<hbm>>) target_semaphore(%arg18 : memref<!tpu.dma_semaphore, #tpu.memory_space<semaphore_mem>>)
      %dma_start3A_957 = arith.constant 4 : i32
      %dma_start3A_958 = arith.constant 0 : i32
      %dma_start3A_959 = arith.constant 0 : i32
      %dma_start3A_960 = tpu.memref_slice %arg8[%dma_start3A_957, %dma_start3A_958, %dma_start3A_959] : memref<5x128x32xf32, #tpu.memory_space<vmem>> -> memref<1x128x32xf32, #tpu.memory_space<vmem>>
      %dma_start3A_961 = tpu.memref_squeeze %dma_start3A_960 : memref<1x128x32xf32, #tpu.memory_space<vmem>> -> memref<128x32xf32, #tpu.memory_space<vmem>>
      %dma_start3A_962 = arith.constant 0 : i32
      %dma_start3A_963 = tpu.memref_slice %arg5[%add3A_937, %dma_start3A_962] : memref<204800x64xf32, #tpu.memory_space<hbm>> -> memref<128x64xf32, #tpu.memory_space<hbm>>
      %dma_start3A_964 = arith.constant 0 : i32
      %dma_start3A_965 = arith.constant 32 : i32
      %dma_start3A_966 = tpu.memref_slice %dma_start3A_963[%dma_start3A_964, %dma_start3A_965] : memref<128x64xf32, #tpu.memory_space<hbm>> -> memref<128x32xf32, #tpu.memory_space<hbm>>
      %dma_start3A_967 = arith.constant 0 : i32
      %dma_start3A_968 = tpu.memref_slice %arg5[%add3A_937, %dma_start3A_967] : memref<204800x64xf32, #tpu.memory_space<hbm>> -> memref<128x64xf32, #tpu.memory_space<hbm>>
      %dma_start3A_969 = arith.constant 0 : i32
      %dma_start3A_970 = arith.constant 32 : i32
      %dma_start3A_971 = tpu.memref_slice %dma_start3A_968[%dma_start3A_969, %dma_start3A_970] : memref<128x64xf32, #tpu.memory_space<hbm>> -> memref<128x32xf32, #tpu.memory_space<hbm>>
      %dma_start3A_972 = arith.constant 0 : i32
      %dma_start3A_973 = arith.constant 0 : i32
      %dma_start3A_974 = tpu.memref_slice %arg8[%dma_start3A_957, %dma_start3A_972, %dma_start3A_973] : memref<5x128x32xf32, #tpu.memory_space<vmem>> -> memref<1x128x32xf32, #tpu.memory_space<vmem>>
      %dma_start3A_975 = tpu.memref_squeeze %dma_start3A_974 : memref<1x128x32xf32, #tpu.memory_space<vmem>> -> memref<128x32xf32, #tpu.memory_space<vmem>>
      tpu.enqueue_dma source(%dma_start3A_975 : memref<128x32xf32, #tpu.memory_space<vmem>>) target(%dma_start3A_971 : memref<128x32xf32, #tpu.memory_space<hbm>>) target_semaphore(%arg18 : memref<!tpu.dma_semaphore, #tpu.memory_space<semaphore_mem>>)
      %dma_wait3A_976 = arith.constant 0 : i32
      %dma_wait3A_977 = arith.constant 0 : i32
      %dma_wait3A_978 = arith.constant 0 : i32
      %dma_wait3A_979 = tpu.memref_slice %arg7[%dma_wait3A_976, %dma_wait3A_977, %dma_wait3A_978] : memref<5x128x32xf32, #tpu.memory_space<vmem>> -> memref<1x128x32xf32, #tpu.memory_space<vmem>>
      %dma_wait3A_980 = tpu.memref_squeeze %dma_wait3A_979 : memref<1x128x32xf32, #tpu.memory_space<vmem>> -> memref<128x32xf32, #tpu.memory_space<vmem>>
      %dma_wait3A_981 = arith.constant 0 : i32
      %dma_wait3A_982 = tpu.memref_slice %arg5[%add3A_669, %dma_wait3A_981] : memref<204800x64xf32, #tpu.memory_space<hbm>> -> memref<128x64xf32, #tpu.memory_space<hbm>>
      %dma_wait3A_983 = arith.constant 0 : i32
      %dma_wait3A_984 = arith.constant 0 : i32
      %dma_wait3A_985 = tpu.memref_slice %dma_wait3A_982[%dma_wait3A_983, %dma_wait3A_984] : memref<128x64xf32, #tpu.memory_space<hbm>> -> memref<128x32xf32, #tpu.memory_space<hbm>>
      %dma_wait3A_986 = arith.constant 0 : i32
      %dma_wait3A_987 = tpu.memref_slice %arg5[%add3A_669, %dma_wait3A_986] : memref<204800x64xf32, #tpu.memory_space<hbm>> -> memref<128x64xf32, #tpu.memory_space<hbm>>
      %dma_wait3A_988 = arith.constant 0 : i32
      %dma_wait3A_989 = arith.constant 0 : i32
      %dma_wait3A_990 = tpu.memref_slice %dma_wait3A_987[%dma_wait3A_988, %dma_wait3A_989] : memref<128x64xf32, #tpu.memory_space<hbm>> -> memref<128x32xf32, #tpu.memory_space<hbm>>
      %dma_wait3A_991 = arith.constant 0 : i32
      %dma_wait3A_992 = arith.constant 0 : i32
      %dma_wait3A_993 = tpu.memref_slice %arg7[%dma_wait3A_976, %dma_wait3A_991, %dma_wait3A_992] : memref<5x128x32xf32, #tpu.memory_space<vmem>> -> memref<1x128x32xf32, #tpu.memory_space<vmem>>
      %dma_wait3A_994 = tpu.memref_squeeze %dma_wait3A_993 : memref<1x128x32xf32, #tpu.memory_space<vmem>> -> memref<128x32xf32, #tpu.memory_space<vmem>>
      tpu.wait_dma2 semaphore(%arg14 : memref<!tpu.dma_semaphore, #tpu.memory_space<semaphore_mem>>) src(%dma_wait3A_994 : memref<128x32xf32, #tpu.memory_space<vmem>>) dst(%dma_wait3A_990 : memref<128x32xf32, #tpu.memory_space<hbm>>)
      %dma_wait3A_995 = arith.constant 0 : i32
      %dma_wait3A_996 = arith.constant 0 : i32
      %dma_wait3A_997 = arith.constant 0 : i32
      %dma_wait3A_998 = tpu.memref_slice %arg8[%dma_wait3A_995, %dma_wait3A_996, %dma_wait3A_997] : memref<5x128x32xf32, #tpu.memory_space<vmem>> -> memref<1x128x32xf32, #tpu.memory_space<vmem>>
      %dma_wait3A_999 = tpu.memref_squeeze %dma_wait3A_998 : memref<1x128x32xf32, #tpu.memory_space<vmem>> -> memref<128x32xf32, #tpu.memory_space<vmem>>
      %dma_wait3A_1000 = arith.constant 0 : i32
      %dma_wait3A_1001 = tpu.memref_slice %arg5[%add3A_669, %dma_wait3A_1000] : memref<204800x64xf32, #tpu.memory_space<hbm>> -> memref<128x64xf32, #tpu.memory_space<hbm>>
      %dma_wait3A_1002 = arith.constant 0 : i32
      %dma_wait3A_1003 = arith.constant 32 : i32
      %dma_wait3A_1004 = tpu.memref_slice %dma_wait3A_1001[%dma_wait3A_1002, %dma_wait3A_1003] : memref<128x64xf32, #tpu.memory_space<hbm>> -> memref<128x32xf32, #tpu.memory_space<hbm>>
      %dma_wait3A_1005 = arith.constant 0 : i32
      %dma_wait3A_1006 = tpu.memref_slice %arg5[%add3A_669, %dma_wait3A_1005] : memref<204800x64xf32, #tpu.memory_space<hbm>> -> memref<128x64xf32, #tpu.memory_space<hbm>>
      %dma_wait3A_1007 = arith.constant 0 : i32
      %dma_wait3A_1008 = arith.constant 32 : i32
      %dma_wait3A_1009 = tpu.memref_slice %dma_wait3A_1006[%dma_wait3A_1007, %dma_wait3A_1008] : memref<128x64xf32, #tpu.memory_space<hbm>> -> memref<128x32xf32, #tpu.memory_space<hbm>>
      %dma_wait3A_1010 = arith.constant 0 : i32
      %dma_wait3A_1011 = arith.constant 0 : i32
      %dma_wait3A_1012 = tpu.memref_slice %arg8[%dma_wait3A_995, %dma_wait3A_1010, %dma_wait3A_1011] : memref<5x128x32xf32, #tpu.memory_space<vmem>> -> memref<1x128x32xf32, #tpu.memory_space<vmem>>
      %dma_wait3A_1013 = tpu.memref_squeeze %dma_wait3A_1012 : memref<1x128x32xf32, #tpu.memory_space<vmem>> -> memref<128x32xf32, #tpu.memory_space<vmem>>
      tpu.wait_dma2 semaphore(%arg14 : memref<!tpu.dma_semaphore, #tpu.memory_space<semaphore_mem>>) src(%dma_wait3A_1013 : memref<128x32xf32, #tpu.memory_space<vmem>>) dst(%dma_wait3A_1009 : memref<128x32xf32, #tpu.memory_space<hbm>>)
      %add3A_1014 = arith.constant 1 : i32
      %add3A_1015 = arith.addi %scan3A_639, %add3A_1014 : i32
      %mul3A_1016 = arith.constant 5 : i32
      %mul3A_1017 = arith.muli %add3A_1015, %mul3A_1016 : i32
      %add3A_1018 = arith.constant 0 : i32
      %add3A_1019 = arith.addi %mul3A_1017, %add3A_1018 : i32
      %dma_start3A_1020 = arith.constant 0 : i32
      %dma_start3A_1021 = arith.constant 0 : i32
      %dma_start3A_1022 = arith.constant 0 : i32
      %dma_start3A_1023 = tpu.memref_slice %arg7[%dma_start3A_1020, %dma_start3A_1021, %dma_start3A_1022] : memref<5x128x32xf32, #tpu.memory_space<vmem>> -> memref<1x128x32xf32, #tpu.memory_space<vmem>>
      %dma_start3A_1024 = tpu.memref_squeeze %dma_start3A_1023 : memref<1x128x32xf32, #tpu.memory_space<vmem>> -> memref<128x32xf32, #tpu.memory_space<vmem>>
      %dma_start3A_1025 = arith.constant 0 : i32
      %dma_start3A_1026 = tpu.memref_slice %arg6[%add3A_1019, %dma_start3A_1025] : memref<50x128xi32, #tpu.memory_space<vmem>> -> memref<1x128xi32, #tpu.memory_space<vmem>>
      %dma_start3A_1027 = tpu.memref_squeeze %dma_start3A_1026 : memref<1x128xi32, #tpu.memory_space<vmem>> -> memref<128xi32, #tpu.memory_space<vmem>>
      %dma_start3A_1028 = arith.constant 0 : i32
      %dma_start3A_1029 = arith.constant 0 : i32
      %dma_start3A_1030 = tpu.memref_slice %arg3[%dma_start3A_1028, %dma_start3A_1029] : memref<1000000x32xf32, #tpu.memory_space<hbm>> -> memref<1000000x32xf32, #tpu.memory_space<hbm>>
      tpu.enqueue_indirect_dma source(%dma_start3A_1030 : memref<1000000x32xf32, #tpu.memory_space<hbm>>) target(%dma_start3A_1024 : memref<128x32xf32, #tpu.memory_space<vmem>>) offsets(%dma_start3A_1027 : memref<128xi32, #tpu.memory_space<vmem>>) semaphore(%arg9 : memref<!tpu.dma_semaphore, #tpu.memory_space<semaphore_mem>>)
      %dma_start3A_1031 = arith.constant 0 : i32
      %dma_start3A_1032 = arith.constant 0 : i32
      %dma_start3A_1033 = arith.constant 0 : i32
      %dma_start3A_1034 = tpu.memref_slice %arg8[%dma_start3A_1031, %dma_start3A_1032, %dma_start3A_1033] : memref<5x128x32xf32, #tpu.memory_space<vmem>> -> memref<1x128x32xf32, #tpu.memory_space<vmem>>
      %dma_start3A_1035 = tpu.memref_squeeze %dma_start3A_1034 : memref<1x128x32xf32, #tpu.memory_space<vmem>> -> memref<128x32xf32, #tpu.memory_space<vmem>>
      %dma_start3A_1036 = arith.constant 0 : i32
      %dma_start3A_1037 = tpu.memref_slice %arg6[%add3A_1019, %dma_start3A_1036] : memref<50x128xi32, #tpu.memory_space<vmem>> -> memref<1x128xi32, #tpu.memory_space<vmem>>
      %dma_start3A_1038 = tpu.memref_squeeze %dma_start3A_1037 : memref<1x128xi32, #tpu.memory_space<vmem>> -> memref<128xi32, #tpu.memory_space<vmem>>
      %dma_start3A_1039 = arith.constant 0 : i32
      %dma_start3A_1040 = arith.constant 0 : i32
      %dma_start3A_1041 = tpu.memref_slice %arg4[%dma_start3A_1039, %dma_start3A_1040] : memref<1000000x32xf32, #tpu.memory_space<hbm>> -> memref<1000000x32xf32, #tpu.memory_space<hbm>>
      tpu.enqueue_indirect_dma source(%dma_start3A_1041 : memref<1000000x32xf32, #tpu.memory_space<hbm>>) target(%dma_start3A_1035 : memref<128x32xf32, #tpu.memory_space<vmem>>) offsets(%dma_start3A_1038 : memref<128xi32, #tpu.memory_space<vmem>>) semaphore(%arg9 : memref<!tpu.dma_semaphore, #tpu.memory_space<semaphore_mem>>)
      %dma_wait3A_1042 = arith.constant 1 : i32
      %dma_wait3A_1043 = arith.constant 0 : i32
      %dma_wait3A_1044 = arith.constant 0 : i32
      %dma_wait3A_1045 = tpu.memref_slice %arg7[%dma_wait3A_1042, %dma_wait3A_1043, %dma_wait3A_1044] : memref<5x128x32xf32, #tpu.memory_space<vmem>> -> memref<1x128x32xf32, #tpu.memory_space<vmem>>
      %dma_wait3A_1046 = tpu.memref_squeeze %dma_wait3A_1045 : memref<1x128x32xf32, #tpu.memory_space<vmem>> -> memref<128x32xf32, #tpu.memory_space<vmem>>
      %dma_wait3A_1047 = arith.constant 0 : i32
      %dma_wait3A_1048 = tpu.memref_slice %arg5[%add3A_736, %dma_wait3A_1047] : memref<204800x64xf32, #tpu.memory_space<hbm>> -> memref<128x64xf32, #tpu.memory_space<hbm>>
      %dma_wait3A_1049 = arith.constant 0 : i32
      %dma_wait3A_1050 = arith.constant 0 : i32
      %dma_wait3A_1051 = tpu.memref_slice %dma_wait3A_1048[%dma_wait3A_1049, %dma_wait3A_1050] : memref<128x64xf32, #tpu.memory_space<hbm>> -> memref<128x32xf32, #tpu.memory_space<hbm>>
      %dma_wait3A_1052 = arith.constant 0 : i32
      %dma_wait3A_1053 = tpu.memref_slice %arg5[%add3A_736, %dma_wait3A_1052] : memref<204800x64xf32, #tpu.memory_space<hbm>> -> memref<128x64xf32, #tpu.memory_space<hbm>>
      %dma_wait3A_1054 = arith.constant 0 : i32
      %dma_wait3A_1055 = arith.constant 0 : i32
      %dma_wait3A_1056 = tpu.memref_slice %dma_wait3A_1053[%dma_wait3A_1054, %dma_wait3A_1055] : memref<128x64xf32, #tpu.memory_space<hbm>> -> memref<128x32xf32, #tpu.memory_space<hbm>>
      %dma_wait3A_1057 = arith.constant 0 : i32
      %dma_wait3A_1058 = arith.constant 0 : i32
      %dma_wait3A_1059 = tpu.memref_slice %arg7[%dma_wait3A_1042, %dma_wait3A_1057, %dma_wait3A_1058] : memref<5x128x32xf32, #tpu.memory_space<vmem>> -> memref<1x128x32xf32, #tpu.memory_space<vmem>>
      %dma_wait3A_1060 = tpu.memref_squeeze %dma_wait3A_1059 : memref<1x128x32xf32, #tpu.memory_space<vmem>> -> memref<128x32xf32, #tpu.memory_space<vmem>>
      tpu.wait_dma2 semaphore(%arg15 : memref<!tpu.dma_semaphore, #tpu.memory_space<semaphore_mem>>) src(%dma_wait3A_1060 : memref<128x32xf32, #tpu.memory_space<vmem>>) dst(%dma_wait3A_1056 : memref<128x32xf32, #tpu.memory_space<hbm>>)
      %dma_wait3A_1061 = arith.constant 1 : i32
      %dma_wait3A_1062 = arith.constant 0 : i32
      %dma_wait3A_1063 = arith.constant 0 : i32
      %dma_wait3A_1064 = tpu.memref_slice %arg8[%dma_wait3A_1061, %dma_wait3A_1062, %dma_wait3A_1063] : memref<5x128x32xf32, #tpu.memory_space<vmem>> -> memref<1x128x32xf32, #tpu.memory_space<vmem>>
      %dma_wait3A_1065 = tpu.memref_squeeze %dma_wait3A_1064 : memref<1x128x32xf32, #tpu.memory_space<vmem>> -> memref<128x32xf32, #tpu.memory_space<vmem>>
      %dma_wait3A_1066 = arith.constant 0 : i32
      %dma_wait3A_1067 = tpu.memref_slice %arg5[%add3A_736, %dma_wait3A_1066] : memref<204800x64xf32, #tpu.memory_space<hbm>> -> memref<128x64xf32, #tpu.memory_space<hbm>>
      %dma_wait3A_1068 = arith.constant 0 : i32
      %dma_wait3A_1069 = arith.constant 32 : i32
      %dma_wait3A_1070 = tpu.memref_slice %dma_wait3A_1067[%dma_wait3A_1068, %dma_wait3A_1069] : memref<128x64xf32, #tpu.memory_space<hbm>> -> memref<128x32xf32, #tpu.memory_space<hbm>>
      %dma_wait3A_1071 = arith.constant 0 : i32
      %dma_wait3A_1072 = tpu.memref_slice %arg5[%add3A_736, %dma_wait3A_1071] : memref<204800x64xf32, #tpu.memory_space<hbm>> -> memref<128x64xf32, #tpu.memory_space<hbm>>
      %dma_wait3A_1073 = arith.constant 0 : i32
      %dma_wait3A_1074 = arith.constant 32 : i32
      %dma_wait3A_1075 = tpu.memref_slice %dma_wait3A_1072[%dma_wait3A_1073, %dma_wait3A_1074] : memref<128x64xf32, #tpu.memory_space<hbm>> -> memref<128x32xf32, #tpu.memory_space<hbm>>
      %dma_wait3A_1076 = arith.constant 0 : i32
      %dma_wait3A_1077 = arith.constant 0 : i32
      %dma_wait3A_1078 = tpu.memref_slice %arg8[%dma_wait3A_1061, %dma_wait3A_1076, %dma_wait3A_1077] : memref<5x128x32xf32, #tpu.memory_space<vmem>> -> memref<1x128x32xf32, #tpu.memory_space<vmem>>
      %dma_wait3A_1079 = tpu.memref_squeeze %dma_wait3A_1078 : memref<1x128x32xf32, #tpu.memory_space<vmem>> -> memref<128x32xf32, #tpu.memory_space<vmem>>
      tpu.wait_dma2 semaphore(%arg15 : memref<!tpu.dma_semaphore, #tpu.memory_space<semaphore_mem>>) src(%dma_wait3A_1079 : memref<128x32xf32, #tpu.memory_space<vmem>>) dst(%dma_wait3A_1075 : memref<128x32xf32, #tpu.memory_space<hbm>>)
      %add3A_1080 = arith.constant 1 : i32
      %add3A_1081 = arith.addi %scan3A_639, %add3A_1080 : i32
      %mul3A_1082 = arith.constant 5 : i32
      %mul3A_1083 = arith.muli %add3A_1081, %mul3A_1082 : i32
      %add3A_1084 = arith.constant 1 : i32
      %add3A_1085 = arith.addi %mul3A_1083, %add3A_1084 : i32
      %dma_start3A_1086 = arith.constant 1 : i32
      %dma_start3A_1087 = arith.constant 0 : i32
      %dma_start3A_1088 = arith.constant 0 : i32
      %dma_start3A_1089 = tpu.memref_slice %arg7[%dma_start3A_1086, %dma_start3A_1087, %dma_start3A_1088] : memref<5x128x32xf32, #tpu.memory_space<vmem>> -> memref<1x128x32xf32, #tpu.memory_space<vmem>>
      %dma_start3A_1090 = tpu.memref_squeeze %dma_start3A_1089 : memref<1x128x32xf32, #tpu.memory_space<vmem>> -> memref<128x32xf32, #tpu.memory_space<vmem>>
      %dma_start3A_1091 = arith.constant 0 : i32
      %dma_start3A_1092 = tpu.memref_slice %arg6[%add3A_1085, %dma_start3A_1091] : memref<50x128xi32, #tpu.memory_space<vmem>> -> memref<1x128xi32, #tpu.memory_space<vmem>>
      %dma_start3A_1093 = tpu.memref_squeeze %dma_start3A_1092 : memref<1x128xi32, #tpu.memory_space<vmem>> -> memref<128xi32, #tpu.memory_space<vmem>>
      %dma_start3A_1094 = arith.constant 0 : i32
      %dma_start3A_1095 = arith.constant 0 : i32
      %dma_start3A_1096 = tpu.memref_slice %arg3[%dma_start3A_1094, %dma_start3A_1095] : memref<1000000x32xf32, #tpu.memory_space<hbm>> -> memref<1000000x32xf32, #tpu.memory_space<hbm>>
      tpu.enqueue_indirect_dma source(%dma_start3A_1096 : memref<1000000x32xf32, #tpu.memory_space<hbm>>) target(%dma_start3A_1090 : memref<128x32xf32, #tpu.memory_space<vmem>>) offsets(%dma_start3A_1093 : memref<128xi32, #tpu.memory_space<vmem>>) semaphore(%arg10 : memref<!tpu.dma_semaphore, #tpu.memory_space<semaphore_mem>>)
      %dma_start3A_1097 = arith.constant 1 : i32
      %dma_start3A_1098 = arith.constant 0 : i32
      %dma_start3A_1099 = arith.constant 0 : i32
      %dma_start3A_1100 = tpu.memref_slice %arg8[%dma_start3A_1097, %dma_start3A_1098, %dma_start3A_1099] : memref<5x128x32xf32, #tpu.memory_space<vmem>> -> memref<1x128x32xf32, #tpu.memory_space<vmem>>
      %dma_start3A_1101 = tpu.memref_squeeze %dma_start3A_1100 : memref<1x128x32xf32, #tpu.memory_space<vmem>> -> memref<128x32xf32, #tpu.memory_space<vmem>>
      %dma_start3A_1102 = arith.constant 0 : i32
      %dma_start3A_1103 = tpu.memref_slice %arg6[%add3A_1085, %dma_start3A_1102] : memref<50x128xi32, #tpu.memory_space<vmem>> -> memref<1x128xi32, #tpu.memory_space<vmem>>
      %dma_start3A_1104 = tpu.memref_squeeze %dma_start3A_1103 : memref<1x128xi32, #tpu.memory_space<vmem>> -> memref<128xi32, #tpu.memory_space<vmem>>
      %dma_start3A_1105 = arith.constant 0 : i32
      %dma_start3A_1106 = arith.constant 0 : i32
      %dma_start3A_1107 = tpu.memref_slice %arg4[%dma_start3A_1105, %dma_start3A_1106] : memref<1000000x32xf32, #tpu.memory_space<hbm>> -> memref<1000000x32xf32, #tpu.memory_space<hbm>>
      tpu.enqueue_indirect_dma source(%dma_start3A_1107 : memref<1000000x32xf32, #tpu.memory_space<hbm>>) target(%dma_start3A_1101 : memref<128x32xf32, #tpu.memory_space<vmem>>) offsets(%dma_start3A_1104 : memref<128xi32, #tpu.memory_space<vmem>>) semaphore(%arg10 : memref<!tpu.dma_semaphore, #tpu.memory_space<semaphore_mem>>)
      %dma_wait3A_1108 = arith.constant 2 : i32
      %dma_wait3A_1109 = arith.constant 0 : i32
      %dma_wait3A_1110 = arith.constant 0 : i32
      %dma_wait3A_1111 = tpu.memref_slice %arg7[%dma_wait3A_1108, %dma_wait3A_1109, %dma_wait3A_1110] : memref<5x128x32xf32, #tpu.memory_space<vmem>> -> memref<1x128x32xf32, #tpu.memory_space<vmem>>
      %dma_wait3A_1112 = tpu.memref_squeeze %dma_wait3A_1111 : memref<1x128x32xf32, #tpu.memory_space<vmem>> -> memref<128x32xf32, #tpu.memory_space<vmem>>
      %dma_wait3A_1113 = arith.constant 0 : i32
      %dma_wait3A_1114 = tpu.memref_slice %arg5[%add3A_803, %dma_wait3A_1113] : memref<204800x64xf32, #tpu.memory_space<hbm>> -> memref<128x64xf32, #tpu.memory_space<hbm>>
      %dma_wait3A_1115 = arith.constant 0 : i32
      %dma_wait3A_1116 = arith.constant 0 : i32
      %dma_wait3A_1117 = tpu.memref_slice %dma_wait3A_1114[%dma_wait3A_1115, %dma_wait3A_1116] : memref<128x64xf32, #tpu.memory_space<hbm>> -> memref<128x32xf32, #tpu.memory_space<hbm>>
      %dma_wait3A_1118 = arith.constant 0 : i32
      %dma_wait3A_1119 = tpu.memref_slice %arg5[%add3A_803, %dma_wait3A_1118] : memref<204800x64xf32, #tpu.memory_space<hbm>> -> memref<128x64xf32, #tpu.memory_space<hbm>>
      %dma_wait3A_1120 = arith.constant 0 : i32
      %dma_wait3A_1121 = arith.constant 0 : i32
      %dma_wait3A_1122 = tpu.memref_slice %dma_wait3A_1119[%dma_wait3A_1120, %dma_wait3A_1121] : memref<128x64xf32, #tpu.memory_space<hbm>> -> memref<128x32xf32, #tpu.memory_space<hbm>>
      %dma_wait3A_1123 = arith.constant 0 : i32
      %dma_wait3A_1124 = arith.constant 0 : i32
      %dma_wait3A_1125 = tpu.memref_slice %arg7[%dma_wait3A_1108, %dma_wait3A_1123, %dma_wait3A_1124] : memref<5x128x32xf32, #tpu.memory_space<vmem>> -> memref<1x128x32xf32, #tpu.memory_space<vmem>>
      %dma_wait3A_1126 = tpu.memref_squeeze %dma_wait3A_1125 : memref<1x128x32xf32, #tpu.memory_space<vmem>> -> memref<128x32xf32, #tpu.memory_space<vmem>>
      tpu.wait_dma2 semaphore(%arg16 : memref<!tpu.dma_semaphore, #tpu.memory_space<semaphore_mem>>) src(%dma_wait3A_1126 : memref<128x32xf32, #tpu.memory_space<vmem>>) dst(%dma_wait3A_1122 : memref<128x32xf32, #tpu.memory_space<hbm>>)
      %dma_wait3A_1127 = arith.constant 2 : i32
      %dma_wait3A_1128 = arith.constant 0 : i32
      %dma_wait3A_1129 = arith.constant 0 : i32
      %dma_wait3A_1130 = tpu.memref_slice %arg8[%dma_wait3A_1127, %dma_wait3A_1128, %dma_wait3A_1129] : memref<5x128x32xf32, #tpu.memory_space<vmem>> -> memref<1x128x32xf32, #tpu.memory_space<vmem>>
      %dma_wait3A_1131 = tpu.memref_squeeze %dma_wait3A_1130 : memref<1x128x32xf32, #tpu.memory_space<vmem>> -> memref<128x32xf32, #tpu.memory_space<vmem>>
      %dma_wait3A_1132 = arith.constant 0 : i32
      %dma_wait3A_1133 = tpu.memref_slice %arg5[%add3A_803, %dma_wait3A_1132] : memref<204800x64xf32, #tpu.memory_space<hbm>> -> memref<128x64xf32, #tpu.memory_space<hbm>>
      %dma_wait3A_1134 = arith.constant 0 : i32
      %dma_wait3A_1135 = arith.constant 32 : i32
      %dma_wait3A_1136 = tpu.memref_slice %dma_wait3A_1133[%dma_wait3A_1134, %dma_wait3A_1135] : memref<128x64xf32, #tpu.memory_space<hbm>> -> memref<128x32xf32, #tpu.memory_space<hbm>>
      %dma_wait3A_1137 = arith.constant 0 : i32
      %dma_wait3A_1138 = tpu.memref_slice %arg5[%add3A_803, %dma_wait3A_1137] : memref<204800x64xf32, #tpu.memory_space<hbm>> -> memref<128x64xf32, #tpu.memory_space<hbm>>
      %dma_wait3A_1139 = arith.constant 0 : i32
      %dma_wait3A_1140 = arith.constant 32 : i32
      %dma_wait3A_1141 = tpu.memref_slice %dma_wait3A_1138[%dma_wait3A_1139, %dma_wait3A_1140] : memref<128x64xf32, #tpu.memory_space<hbm>> -> memref<128x32xf32, #tpu.memory_space<hbm>>
      %dma_wait3A_1142 = arith.constant 0 : i32
      %dma_wait3A_1143 = arith.constant 0 : i32
      %dma_wait3A_1144 = tpu.memref_slice %arg8[%dma_wait3A_1127, %dma_wait3A_1142, %dma_wait3A_1143] : memref<5x128x32xf32, #tpu.memory_space<vmem>> -> memref<1x128x32xf32, #tpu.memory_space<vmem>>
      %dma_wait3A_1145 = tpu.memref_squeeze %dma_wait3A_1144 : memref<1x128x32xf32, #tpu.memory_space<vmem>> -> memref<128x32xf32, #tpu.memory_space<vmem>>
      tpu.wait_dma2 semaphore(%arg16 : memref<!tpu.dma_semaphore, #tpu.memory_space<semaphore_mem>>) src(%dma_wait3A_1145 : memref<128x32xf32, #tpu.memory_space<vmem>>) dst(%dma_wait3A_1141 : memref<128x32xf32, #tpu.memory_space<hbm>>)
      %add3A_1146 = arith.constant 1 : i32
      %add3A_1147 = arith.addi %scan3A_639, %add3A_1146 : i32
      %mul3A_1148 = arith.constant 5 : i32
      %mul3A_1149 = arith.muli %add3A_1147, %mul3A_1148 : i32
      %add3A_1150 = arith.constant 2 : i32
      %add3A_1151 = arith.addi %mul3A_1149, %add3A_1150 : i32
      %dma_start3A_1152 = arith.constant 2 : i32
      %dma_start3A_1153 = arith.constant 0 : i32
      %dma_start3A_1154 = arith.constant 0 : i32
      %dma_start3A_1155 = tpu.memref_slice %arg7[%dma_start3A_1152, %dma_start3A_1153, %dma_start3A_1154] : memref<5x128x32xf32, #tpu.memory_space<vmem>> -> memref<1x128x32xf32, #tpu.memory_space<vmem>>
      %dma_start3A_1156 = tpu.memref_squeeze %dma_start3A_1155 : memref<1x128x32xf32, #tpu.memory_space<vmem>> -> memref<128x32xf32, #tpu.memory_space<vmem>>
      %dma_start3A_1157 = arith.constant 0 : i32
      %dma_start3A_1158 = tpu.memref_slice %arg6[%add3A_1151, %dma_start3A_1157] : memref<50x128xi32, #tpu.memory_space<vmem>> -> memref<1x128xi32, #tpu.memory_space<vmem>>
      %dma_start3A_1159 = tpu.memref_squeeze %dma_start3A_1158 : memref<1x128xi32, #tpu.memory_space<vmem>> -> memref<128xi32, #tpu.memory_space<vmem>>
      %dma_start3A_1160 = arith.constant 0 : i32
      %dma_start3A_1161 = arith.constant 0 : i32
      %dma_start3A_1162 = tpu.memref_slice %arg3[%dma_start3A_1160, %dma_start3A_1161] : memref<1000000x32xf32, #tpu.memory_space<hbm>> -> memref<1000000x32xf32, #tpu.memory_space<hbm>>
      tpu.enqueue_indirect_dma source(%dma_start3A_1162 : memref<1000000x32xf32, #tpu.memory_space<hbm>>) target(%dma_start3A_1156 : memref<128x32xf32, #tpu.memory_space<vmem>>) offsets(%dma_start3A_1159 : memref<128xi32, #tpu.memory_space<vmem>>) semaphore(%arg11 : memref<!tpu.dma_semaphore, #tpu.memory_space<semaphore_mem>>)
      %dma_start3A_1163 = arith.constant 2 : i32
      %dma_start3A_1164 = arith.constant 0 : i32
      %dma_start3A_1165 = arith.constant 0 : i32
      %dma_start3A_1166 = tpu.memref_slice %arg8[%dma_start3A_1163, %dma_start3A_1164, %dma_start3A_1165] : memref<5x128x32xf32, #tpu.memory_space<vmem>> -> memref<1x128x32xf32, #tpu.memory_space<vmem>>
      %dma_start3A_1167 = tpu.memref_squeeze %dma_start3A_1166 : memref<1x128x32xf32, #tpu.memory_space<vmem>> -> memref<128x32xf32, #tpu.memory_space<vmem>>
      %dma_start3A_1168 = arith.constant 0 : i32
      %dma_start3A_1169 = tpu.memref_slice %arg6[%add3A_1151, %dma_start3A_1168] : memref<50x128xi32, #tpu.memory_space<vmem>> -> memref<1x128xi32, #tpu.memory_space<vmem>>
      %dma_start3A_1170 = tpu.memref_squeeze %dma_start3A_1169 : memref<1x128xi32, #tpu.memory_space<vmem>> -> memref<128xi32, #tpu.memory_space<vmem>>
      %dma_start3A_1171 = arith.constant 0 : i32
      %dma_start3A_1172 = arith.constant 0 : i32
      %dma_start3A_1173 = tpu.memref_slice %arg4[%dma_start3A_1171, %dma_start3A_1172] : memref<1000000x32xf32, #tpu.memory_space<hbm>> -> memref<1000000x32xf32, #tpu.memory_space<hbm>>
      tpu.enqueue_indirect_dma source(%dma_start3A_1173 : memref<1000000x32xf32, #tpu.memory_space<hbm>>) target(%dma_start3A_1167 : memref<128x32xf32, #tpu.memory_space<vmem>>) offsets(%dma_start3A_1170 : memref<128xi32, #tpu.memory_space<vmem>>) semaphore(%arg11 : memref<!tpu.dma_semaphore, #tpu.memory_space<semaphore_mem>>)
      %dma_wait3A_1174 = arith.constant 3 : i32
      %dma_wait3A_1175 = arith.constant 0 : i32
      %dma_wait3A_1176 = arith.constant 0 : i32
      %dma_wait3A_1177 = tpu.memref_slice %arg7[%dma_wait3A_1174, %dma_wait3A_1175, %dma_wait3A_1176] : memref<5x128x32xf32, #tpu.memory_space<vmem>> -> memref<1x128x32xf32, #tpu.memory_space<vmem>>
      %dma_wait3A_1178 = tpu.memref_squeeze %dma_wait3A_1177 : memref<1x128x32xf32, #tpu.memory_space<vmem>> -> memref<128x32xf32, #tpu.memory_space<vmem>>
      %dma_wait3A_1179 = arith.constant 0 : i32
      %dma_wait3A_1180 = tpu.memref_slice %arg5[%add3A_870, %dma_wait3A_1179] : memref<204800x64xf32, #tpu.memory_space<hbm>> -> memref<128x64xf32, #tpu.memory_space<hbm>>
      %dma_wait3A_1181 = arith.constant 0 : i32
      %dma_wait3A_1182 = arith.constant 0 : i32
      %dma_wait3A_1183 = tpu.memref_slice %dma_wait3A_1180[%dma_wait3A_1181, %dma_wait3A_1182] : memref<128x64xf32, #tpu.memory_space<hbm>> -> memref<128x32xf32, #tpu.memory_space<hbm>>
      %dma_wait3A_1184 = arith.constant 0 : i32
      %dma_wait3A_1185 = tpu.memref_slice %arg5[%add3A_870, %dma_wait3A_1184] : memref<204800x64xf32, #tpu.memory_space<hbm>> -> memref<128x64xf32, #tpu.memory_space<hbm>>
      %dma_wait3A_1186 = arith.constant 0 : i32
      %dma_wait3A_1187 = arith.constant 0 : i32
      %dma_wait3A_1188 = tpu.memref_slice %dma_wait3A_1185[%dma_wait3A_1186, %dma_wait3A_1187] : memref<128x64xf32, #tpu.memory_space<hbm>> -> memref<128x32xf32, #tpu.memory_space<hbm>>
      %dma_wait3A_1189 = arith.constant 0 : i32
      %dma_wait3A_1190 = arith.constant 0 : i32
      %dma_wait3A_1191 = tpu.memref_slice %arg7[%dma_wait3A_1174, %dma_wait3A_1189, %dma_wait3A_1190] : memref<5x128x32xf32, #tpu.memory_space<vmem>> -> memref<1x128x32xf32, #tpu.memory_space<vmem>>
      %dma_wait3A_1192 = tpu.memref_squeeze %dma_wait3A_1191 : memref<1x128x32xf32, #tpu.memory_space<vmem>> -> memref<128x32xf32, #tpu.memory_space<vmem>>
      tpu.wait_dma2 semaphore(%arg17 : memref<!tpu.dma_semaphore, #tpu.memory_space<semaphore_mem>>) src(%dma_wait3A_1192 : memref<128x32xf32, #tpu.memory_space<vmem>>) dst(%dma_wait3A_1188 : memref<128x32xf32, #tpu.memory_space<hbm>>)
      %dma_wait3A_1193 = arith.constant 3 : i32
      %dma_wait3A_1194 = arith.constant 0 : i32
      %dma_wait3A_1195 = arith.constant 0 : i32
      %dma_wait3A_1196 = tpu.memref_slice %arg8[%dma_wait3A_1193, %dma_wait3A_1194, %dma_wait3A_1195] : memref<5x128x32xf32, #tpu.memory_space<vmem>> -> memref<1x128x32xf32, #tpu.memory_space<vmem>>
      %dma_wait3A_1197 = tpu.memref_squeeze %dma_wait3A_1196 : memref<1x128x32xf32, #tpu.memory_space<vmem>> -> memref<128x32xf32, #tpu.memory_space<vmem>>
      %dma_wait3A_1198 = arith.constant 0 : i32
      %dma_wait3A_1199 = tpu.memref_slice %arg5[%add3A_870, %dma_wait3A_1198] : memref<204800x64xf32, #tpu.memory_space<hbm>> -> memref<128x64xf32, #tpu.memory_space<hbm>>
      %dma_wait3A_1200 = arith.constant 0 : i32
      %dma_wait3A_1201 = arith.constant 32 : i32
      %dma_wait3A_1202 = tpu.memref_slice %dma_wait3A_1199[%dma_wait3A_1200, %dma_wait3A_1201] : memref<128x64xf32, #tpu.memory_space<hbm>> -> memref<128x32xf32, #tpu.memory_space<hbm>>
      %dma_wait3A_1203 = arith.constant 0 : i32
      %dma_wait3A_1204 = tpu.memref_slice %arg5[%add3A_870, %dma_wait3A_1203] : memref<204800x64xf32, #tpu.memory_space<hbm>> -> memref<128x64xf32, #tpu.memory_space<hbm>>
      %dma_wait3A_1205 = arith.constant 0 : i32
      %dma_wait3A_1206 = arith.constant 32 : i32
      %dma_wait3A_1207 = tpu.memref_slice %dma_wait3A_1204[%dma_wait3A_1205, %dma_wait3A_1206] : memref<128x64xf32, #tpu.memory_space<hbm>> -> memref<128x32xf32, #tpu.memory_space<hbm>>
      %dma_wait3A_1208 = arith.constant 0 : i32
      %dma_wait3A_1209 = arith.constant 0 : i32
      %dma_wait3A_1210 = tpu.memref_slice %arg8[%dma_wait3A_1193, %dma_wait3A_1208, %dma_wait3A_1209] : memref<5x128x32xf32, #tpu.memory_space<vmem>> -> memref<1x128x32xf32, #tpu.memory_space<vmem>>
      %dma_wait3A_1211 = tpu.memref_squeeze %dma_wait3A_1210 : memref<1x128x32xf32, #tpu.memory_space<vmem>> -> memref<128x32xf32, #tpu.memory_space<vmem>>
      tpu.wait_dma2 semaphore(%arg17 : memref<!tpu.dma_semaphore, #tpu.memory_space<semaphore_mem>>) src(%dma_wait3A_1211 : memref<128x32xf32, #tpu.memory_space<vmem>>) dst(%dma_wait3A_1207 : memref<128x32xf32, #tpu.memory_space<hbm>>)
      %add3A_1212 = arith.constant 1 : i32
      %add3A_1213 = arith.addi %scan3A_639, %add3A_1212 : i32
      %mul3A_1214 = arith.constant 5 : i32
      %mul3A_1215 = arith.muli %add3A_1213, %mul3A_1214 : i32
      %add3A_1216 = arith.constant 3 : i32
      %add3A_1217 = arith.addi %mul3A_1215, %add3A_1216 : i32
      %dma_start3A_1218 = arith.constant 3 : i32
      %dma_start3A_1219 = arith.constant 0 : i32
      %dma_start3A_1220 = arith.constant 0 : i32
      %dma_start3A_1221 = tpu.memref_slice %arg7[%dma_start3A_1218, %dma_start3A_1219, %dma_start3A_1220] : memref<5x128x32xf32, #tpu.memory_space<vmem>> -> memref<1x128x32xf32, #tpu.memory_space<vmem>>
      %dma_start3A_1222 = tpu.memref_squeeze %dma_start3A_1221 : memref<1x128x32xf32, #tpu.memory_space<vmem>> -> memref<128x32xf32, #tpu.memory_space<vmem>>
      %dma_start3A_1223 = arith.constant 0 : i32
      %dma_start3A_1224 = tpu.memref_slice %arg6[%add3A_1217, %dma_start3A_1223] : memref<50x128xi32, #tpu.memory_space<vmem>> -> memref<1x128xi32, #tpu.memory_space<vmem>>
      %dma_start3A_1225 = tpu.memref_squeeze %dma_start3A_1224 : memref<1x128xi32, #tpu.memory_space<vmem>> -> memref<128xi32, #tpu.memory_space<vmem>>
      %dma_start3A_1226 = arith.constant 0 : i32
      %dma_start3A_1227 = arith.constant 0 : i32
      %dma_start3A_1228 = tpu.memref_slice %arg3[%dma_start3A_1226, %dma_start3A_1227] : memref<1000000x32xf32, #tpu.memory_space<hbm>> -> memref<1000000x32xf32, #tpu.memory_space<hbm>>
      tpu.enqueue_indirect_dma source(%dma_start3A_1228 : memref<1000000x32xf32, #tpu.memory_space<hbm>>) target(%dma_start3A_1222 : memref<128x32xf32, #tpu.memory_space<vmem>>) offsets(%dma_start3A_1225 : memref<128xi32, #tpu.memory_space<vmem>>) semaphore(%arg12 : memref<!tpu.dma_semaphore, #tpu.memory_space<semaphore_mem>>)
      %dma_start3A_1229 = arith.constant 3 : i32
      %dma_start3A_1230 = arith.constant 0 : i32
      %dma_start3A_1231 = arith.constant 0 : i32
      %dma_start3A_1232 = tpu.memref_slice %arg8[%dma_start3A_1229, %dma_start3A_1230, %dma_start3A_1231] : memref<5x128x32xf32, #tpu.memory_space<vmem>> -> memref<1x128x32xf32, #tpu.memory_space<vmem>>
      %dma_start3A_1233 = tpu.memref_squeeze %dma_start3A_1232 : memref<1x128x32xf32, #tpu.memory_space<vmem>> -> memref<128x32xf32, #tpu.memory_space<vmem>>
      %dma_start3A_1234 = arith.constant 0 : i32
      %dma_start3A_1235 = tpu.memref_slice %arg6[%add3A_1217, %dma_start3A_1234] : memref<50x128xi32, #tpu.memory_space<vmem>> -> memref<1x128xi32, #tpu.memory_space<vmem>>
      %dma_start3A_1236 = tpu.memref_squeeze %dma_start3A_1235 : memref<1x128xi32, #tpu.memory_space<vmem>> -> memref<128xi32, #tpu.memory_space<vmem>>
      %dma_start3A_1237 = arith.constant 0 : i32
      %dma_start3A_1238 = arith.constant 0 : i32
      %dma_start3A_1239 = tpu.memref_slice %arg4[%dma_start3A_1237, %dma_start3A_1238] : memref<1000000x32xf32, #tpu.memory_space<hbm>> -> memref<1000000x32xf32, #tpu.memory_space<hbm>>
      tpu.enqueue_indirect_dma source(%dma_start3A_1239 : memref<1000000x32xf32, #tpu.memory_space<hbm>>) target(%dma_start3A_1233 : memref<128x32xf32, #tpu.memory_space<vmem>>) offsets(%dma_start3A_1236 : memref<128xi32, #tpu.memory_space<vmem>>) semaphore(%arg12 : memref<!tpu.dma_semaphore, #tpu.memory_space<semaphore_mem>>)
      %dma_wait3A_1240 = arith.constant 4 : i32
      %dma_wait3A_1241 = arith.constant 0 : i32
      %dma_wait3A_1242 = arith.constant 0 : i32
      %dma_wait3A_1243 = tpu.memref_slice %arg7[%dma_wait3A_1240, %dma_wait3A_1241, %dma_wait3A_1242] : memref<5x128x32xf32, #tpu.memory_space<vmem>> -> memref<1x128x32xf32, #tpu.memory_space<vmem>>
      %dma_wait3A_1244 = tpu.memref_squeeze %dma_wait3A_1243 : memref<1x128x32xf32, #tpu.memory_space<vmem>> -> memref<128x32xf32, #tpu.memory_space<vmem>>
      %dma_wait3A_1245 = arith.constant 0 : i32
      %dma_wait3A_1246 = tpu.memref_slice %arg5[%add3A_937, %dma_wait3A_1245] : memref<204800x64xf32, #tpu.memory_space<hbm>> -> memref<128x64xf32, #tpu.memory_space<hbm>>
      %dma_wait3A_1247 = arith.constant 0 : i32
      %dma_wait3A_1248 = arith.constant 0 : i32
      %dma_wait3A_1249 = tpu.memref_slice %dma_wait3A_1246[%dma_wait3A_1247, %dma_wait3A_1248] : memref<128x64xf32, #tpu.memory_space<hbm>> -> memref<128x32xf32, #tpu.memory_space<hbm>>
      %dma_wait3A_1250 = arith.constant 0 : i32
      %dma_wait3A_1251 = tpu.memref_slice %arg5[%add3A_937, %dma_wait3A_1250] : memref<204800x64xf32, #tpu.memory_space<hbm>> -> memref<128x64xf32, #tpu.memory_space<hbm>>
      %dma_wait3A_1252 = arith.constant 0 : i32
      %dma_wait3A_1253 = arith.constant 0 : i32
      %dma_wait3A_1254 = tpu.memref_slice %dma_wait3A_1251[%dma_wait3A_1252, %dma_wait3A_1253] : memref<128x64xf32, #tpu.memory_space<hbm>> -> memref<128x32xf32, #tpu.memory_space<hbm>>
      %dma_wait3A_1255 = arith.constant 0 : i32
      %dma_wait3A_1256 = arith.constant 0 : i32
      %dma_wait3A_1257 = tpu.memref_slice %arg7[%dma_wait3A_1240, %dma_wait3A_1255, %dma_wait3A_1256] : memref<5x128x32xf32, #tpu.memory_space<vmem>> -> memref<1x128x32xf32, #tpu.memory_space<vmem>>
      %dma_wait3A_1258 = tpu.memref_squeeze %dma_wait3A_1257 : memref<1x128x32xf32, #tpu.memory_space<vmem>> -> memref<128x32xf32, #tpu.memory_space<vmem>>
      tpu.wait_dma2 semaphore(%arg18 : memref<!tpu.dma_semaphore, #tpu.memory_space<semaphore_mem>>) src(%dma_wait3A_1258 : memref<128x32xf32, #tpu.memory_space<vmem>>) dst(%dma_wait3A_1254 : memref<128x32xf32, #tpu.memory_space<hbm>>)
      %dma_wait3A_1259 = arith.constant 4 : i32
      %dma_wait3A_1260 = arith.constant 0 : i32
      %dma_wait3A_1261 = arith.constant 0 : i32
      %dma_wait3A_1262 = tpu.memref_slice %arg8[%dma_wait3A_1259, %dma_wait3A_1260, %dma_wait3A_1261] : memref<5x128x32xf32, #tpu.memory_space<vmem>> -> memref<1x128x32xf32, #tpu.memory_space<vmem>>
      %dma_wait3A_1263 = tpu.memref_squeeze %dma_wait3A_1262 : memref<1x128x32xf32, #tpu.memory_space<vmem>> -> memref<128x32xf32, #tpu.memory_space<vmem>>
      %dma_wait3A_1264 = arith.constant 0 : i32
      %dma_wait3A_1265 = tpu.memref_slice %arg5[%add3A_937, %dma_wait3A_1264] : memref<204800x64xf32, #tpu.memory_space<hbm>> -> memref<128x64xf32, #tpu.memory_space<hbm>>
      %dma_wait3A_1266 = arith.constant 0 : i32
      %dma_wait3A_1267 = arith.constant 32 : i32
      %dma_wait3A_1268 = tpu.memref_slice %dma_wait3A_1265[%dma_wait3A_1266, %dma_wait3A_1267] : memref<128x64xf32, #tpu.memory_space<hbm>> -> memref<128x32xf32, #tpu.memory_space<hbm>>
      %dma_wait3A_1269 = arith.constant 0 : i32
      %dma_wait3A_1270 = tpu.memref_slice %arg5[%add3A_937, %dma_wait3A_1269] : memref<204800x64xf32, #tpu.memory_space<hbm>> -> memref<128x64xf32, #tpu.memory_space<hbm>>
      %dma_wait3A_1271 = arith.constant 0 : i32
      %dma_wait3A_1272 = arith.constant 32 : i32
      %dma_wait3A_1273 = tpu.memref_slice %dma_wait3A_1270[%dma_wait3A_1271, %dma_wait3A_1272] : memref<128x64xf32, #tpu.memory_space<hbm>> -> memref<128x32xf32, #tpu.memory_space<hbm>>
      %dma_wait3A_1274 = arith.constant 0 : i32
      %dma_wait3A_1275 = arith.constant 0 : i32
      %dma_wait3A_1276 = tpu.memref_slice %arg8[%dma_wait3A_1259, %dma_wait3A_1274, %dma_wait3A_1275] : memref<5x128x32xf32, #tpu.memory_space<vmem>> -> memref<1x128x32xf32, #tpu.memory_space<vmem>>
      %dma_wait3A_1277 = tpu.memref_squeeze %dma_wait3A_1276 : memref<1x128x32xf32, #tpu.memory_space<vmem>> -> memref<128x32xf32, #tpu.memory_space<vmem>>
      tpu.wait_dma2 semaphore(%arg18 : memref<!tpu.dma_semaphore, #tpu.memory_space<semaphore_mem>>) src(%dma_wait3A_1277 : memref<128x32xf32, #tpu.memory_space<vmem>>) dst(%dma_wait3A_1273 : memref<128x32xf32, #tpu.memory_space<hbm>>)
      %add3A_1278 = arith.constant 1 : i32
      %add3A_1279 = arith.addi %scan3A_639, %add3A_1278 : i32
      %mul3A_1280 = arith.constant 5 : i32
      %mul3A_1281 = arith.muli %add3A_1279, %mul3A_1280 : i32
      %add3A_1282 = arith.constant 4 : i32
      %add3A_1283 = arith.addi %mul3A_1281, %add3A_1282 : i32
      %dma_start3A_1284 = arith.constant 4 : i32
      %dma_start3A_1285 = arith.constant 0 : i32
      %dma_start3A_1286 = arith.constant 0 : i32
      %dma_start3A_1287 = tpu.memref_slice %arg7[%dma_start3A_1284, %dma_start3A_1285, %dma_start3A_1286] : memref<5x128x32xf32, #tpu.memory_space<vmem>> -> memref<1x128x32xf32, #tpu.memory_space<vmem>>
      %dma_start3A_1288 = tpu.memref_squeeze %dma_start3A_1287 : memref<1x128x32xf32, #tpu.memory_space<vmem>> -> memref<128x32xf32, #tpu.memory_space<vmem>>
      %dma_start3A_1289 = arith.constant 0 : i32
      %dma_start3A_1290 = tpu.memref_slice %arg6[%add3A_1283, %dma_start3A_1289] : memref<50x128xi32, #tpu.memory_space<vmem>> -> memref<1x128xi32, #tpu.memory_space<vmem>>
      %dma_start3A_1291 = tpu.memref_squeeze %dma_start3A_1290 : memref<1x128xi32, #tpu.memory_space<vmem>> -> memref<128xi32, #tpu.memory_space<vmem>>
      %dma_start3A_1292 = arith.constant 0 : i32
      %dma_start3A_1293 = arith.constant 0 : i32
      %dma_start3A_1294 = tpu.memref_slice %arg3[%dma_start3A_1292, %dma_start3A_1293] : memref<1000000x32xf32, #tpu.memory_space<hbm>> -> memref<1000000x32xf32, #tpu.memory_space<hbm>>
      tpu.enqueue_indirect_dma source(%dma_start3A_1294 : memref<1000000x32xf32, #tpu.memory_space<hbm>>) target(%dma_start3A_1288 : memref<128x32xf32, #tpu.memory_space<vmem>>) offsets(%dma_start3A_1291 : memref<128xi32, #tpu.memory_space<vmem>>) semaphore(%arg13 : memref<!tpu.dma_semaphore, #tpu.memory_space<semaphore_mem>>)
      %dma_start3A_1295 = arith.constant 4 : i32
      %dma_start3A_1296 = arith.constant 0 : i32
      %dma_start3A_1297 = arith.constant 0 : i32
      %dma_start3A_1298 = tpu.memref_slice %arg8[%dma_start3A_1295, %dma_start3A_1296, %dma_start3A_1297] : memref<5x128x32xf32, #tpu.memory_space<vmem>> -> memref<1x128x32xf32, #tpu.memory_space<vmem>>
      %dma_start3A_1299 = tpu.memref_squeeze %dma_start3A_1298 : memref<1x128x32xf32, #tpu.memory_space<vmem>> -> memref<128x32xf32, #tpu.memory_space<vmem>>
      %dma_start3A_1300 = arith.constant 0 : i32
      %dma_start3A_1301 = tpu.memref_slice %arg6[%add3A_1283, %dma_start3A_1300] : memref<50x128xi32, #tpu.memory_space<vmem>> -> memref<1x128xi32, #tpu.memory_space<vmem>>
      %dma_start3A_1302 = tpu.memref_squeeze %dma_start3A_1301 : memref<1x128xi32, #tpu.memory_space<vmem>> -> memref<128xi32, #tpu.memory_space<vmem>>
      %dma_start3A_1303 = arith.constant 0 : i32
      %dma_start3A_1304 = arith.constant 0 : i32
      %dma_start3A_1305 = tpu.memref_slice %arg4[%dma_start3A_1303, %dma_start3A_1304] : memref<1000000x32xf32, #tpu.memory_space<hbm>> -> memref<1000000x32xf32, #tpu.memory_space<hbm>>
      tpu.enqueue_indirect_dma source(%dma_start3A_1305 : memref<1000000x32xf32, #tpu.memory_space<hbm>>) target(%dma_start3A_1299 : memref<128x32xf32, #tpu.memory_space<vmem>>) offsets(%dma_start3A_1302 : memref<128xi32, #tpu.memory_space<vmem>>) semaphore(%arg13 : memref<!tpu.dma_semaphore, #tpu.memory_space<semaphore_mem>>)
      %scan3A_1306 = arith.constant 0 : i32
      scf.yield %scan3A_1306 : i32
    }
    %scan3A_129 = arith.constant 9 : i32
    %dma_wait3A = arith.constant 45 : i32
    %dma_wait3A_130 = arith.constant 0 : i32
    %dma_wait3A_131 = arith.constant 0 : i32
    %dma_wait3A_132 = arith.constant 0 : i32
    %dma_wait3A_133 = tpu.memref_slice %arg7[%dma_wait3A_130, %dma_wait3A_131, %dma_wait3A_132] : memref<5x128x32xf32, #tpu.memory_space<vmem>> -> memref<1x128x32xf32, #tpu.memory_space<vmem>>
    %dma_wait3A_134 = tpu.memref_squeeze %dma_wait3A_133 : memref<1x128x32xf32, #tpu.memory_space<vmem>> -> memref<128x32xf32, #tpu.memory_space<vmem>>
    %dma_wait3A_135 = arith.constant 0 : i32
    %dma_wait3A_136 = tpu.memref_slice %arg6[%dma_wait3A, %dma_wait3A_135] : memref<50x128xi32, #tpu.memory_space<vmem>> -> memref<1x128xi32, #tpu.memory_space<vmem>>
    %dma_wait3A_137 = tpu.memref_squeeze %dma_wait3A_136 : memref<1x128xi32, #tpu.memory_space<vmem>> -> memref<128xi32, #tpu.memory_space<vmem>>
    %dma_wait3A_138 = arith.constant 0 : i32
    %dma_wait3A_139 = arith.constant 0 : i32
    %dma_wait3A_140 = tpu.memref_slice %arg3[%dma_wait3A_138, %dma_wait3A_139] : memref<1000000x32xf32, #tpu.memory_space<hbm>> -> memref<1000000x32xf32, #tpu.memory_space<hbm>>
    tpu.wait_indirect_dma semaphore(%arg9 : memref<!tpu.dma_semaphore, #tpu.memory_space<semaphore_mem>>) src(%dma_wait3A_140 : memref<1000000x32xf32, #tpu.memory_space<hbm>>) dst(%dma_wait3A_134 : memref<128x32xf32, #tpu.memory_space<vmem>>)
    %dma_wait3A_141 = arith.constant 45 : i32
    %dma_wait3A_142 = arith.constant 0 : i32
    %dma_wait3A_143 = arith.constant 0 : i32
    %dma_wait3A_144 = arith.constant 0 : i32
    %dma_wait3A_145 = tpu.memref_slice %arg8[%dma_wait3A_142, %dma_wait3A_143, %dma_wait3A_144] : memref<5x128x32xf32, #tpu.memory_space<vmem>> -> memref<1x128x32xf32, #tpu.memory_space<vmem>>
    %dma_wait3A_146 = tpu.memref_squeeze %dma_wait3A_145 : memref<1x128x32xf32, #tpu.memory_space<vmem>> -> memref<128x32xf32, #tpu.memory_space<vmem>>
    %dma_wait3A_147 = arith.constant 0 : i32
    %dma_wait3A_148 = tpu.memref_slice %arg6[%dma_wait3A_141, %dma_wait3A_147] : memref<50x128xi32, #tpu.memory_space<vmem>> -> memref<1x128xi32, #tpu.memory_space<vmem>>
    %dma_wait3A_149 = tpu.memref_squeeze %dma_wait3A_148 : memref<1x128xi32, #tpu.memory_space<vmem>> -> memref<128xi32, #tpu.memory_space<vmem>>
    %dma_wait3A_150 = arith.constant 0 : i32
    %dma_wait3A_151 = arith.constant 0 : i32
    %dma_wait3A_152 = tpu.memref_slice %arg4[%dma_wait3A_150, %dma_wait3A_151] : memref<1000000x32xf32, #tpu.memory_space<hbm>> -> memref<1000000x32xf32, #tpu.memory_space<hbm>>
    tpu.wait_indirect_dma semaphore(%arg9 : memref<!tpu.dma_semaphore, #tpu.memory_space<semaphore_mem>>) src(%dma_wait3A_152 : memref<1000000x32xf32, #tpu.memory_space<hbm>>) dst(%dma_wait3A_146 : memref<128x32xf32, #tpu.memory_space<vmem>>)
    %add3A_153 = arith.constant 5760 : i32
    %add3A_154 = arith.addi %mul3A_4, %add3A_153 : i32
    %dma_start3A_155 = arith.constant 0 : i32
    %dma_start3A_156 = arith.constant 0 : i32
    %dma_start3A_157 = arith.constant 0 : i32
    %dma_start3A_158 = tpu.memref_slice %arg7[%dma_start3A_155, %dma_start3A_156, %dma_start3A_157] : memref<5x128x32xf32, #tpu.memory_space<vmem>> -> memref<1x128x32xf32, #tpu.memory_space<vmem>>
    %dma_start3A_159 = tpu.memref_squeeze %dma_start3A_158 : memref<1x128x32xf32, #tpu.memory_space<vmem>> -> memref<128x32xf32, #tpu.memory_space<vmem>>
    %dma_start3A_160 = arith.constant 0 : i32
    %dma_start3A_161 = tpu.memref_slice %arg5[%add3A_154, %dma_start3A_160] : memref<204800x64xf32, #tpu.memory_space<hbm>> -> memref<128x64xf32, #tpu.memory_space<hbm>>
    %dma_start3A_162 = arith.constant 0 : i32
    %dma_start3A_163 = arith.constant 0 : i32
    %dma_start3A_164 = tpu.memref_slice %dma_start3A_161[%dma_start3A_162, %dma_start3A_163] : memref<128x64xf32, #tpu.memory_space<hbm>> -> memref<128x32xf32, #tpu.memory_space<hbm>>
    %dma_start3A_165 = arith.constant 0 : i32
    %dma_start3A_166 = tpu.memref_slice %arg5[%add3A_154, %dma_start3A_165] : memref<204800x64xf32, #tpu.memory_space<hbm>> -> memref<128x64xf32, #tpu.memory_space<hbm>>
    %dma_start3A_167 = arith.constant 0 : i32
    %dma_start3A_168 = arith.constant 0 : i32
    %dma_start3A_169 = tpu.memref_slice %dma_start3A_166[%dma_start3A_167, %dma_start3A_168] : memref<128x64xf32, #tpu.memory_space<hbm>> -> memref<128x32xf32, #tpu.memory_space<hbm>>
    %dma_start3A_170 = arith.constant 0 : i32
    %dma_start3A_171 = arith.constant 0 : i32
    %dma_start3A_172 = tpu.memref_slice %arg7[%dma_start3A_155, %dma_start3A_170, %dma_start3A_171] : memref<5x128x32xf32, #tpu.memory_space<vmem>> -> memref<1x128x32xf32, #tpu.memory_space<vmem>>
    %dma_start3A_173 = tpu.memref_squeeze %dma_start3A_172 : memref<1x128x32xf32, #tpu.memory_space<vmem>> -> memref<128x32xf32, #tpu.memory_space<vmem>>
    tpu.enqueue_dma source(%dma_start3A_173 : memref<128x32xf32, #tpu.memory_space<vmem>>) target(%dma_start3A_169 : memref<128x32xf32, #tpu.memory_space<hbm>>) target_semaphore(%arg14 : memref<!tpu.dma_semaphore, #tpu.memory_space<semaphore_mem>>)
    %dma_start3A_174 = arith.constant 0 : i32
    %dma_start3A_175 = arith.constant 0 : i32
    %dma_start3A_176 = arith.constant 0 : i32
    %dma_start3A_177 = tpu.memref_slice %arg8[%dma_start3A_174, %dma_start3A_175, %dma_start3A_176] : memref<5x128x32xf32, #tpu.memory_space<vmem>> -> memref<1x128x32xf32, #tpu.memory_space<vmem>>
    %dma_start3A_178 = tpu.memref_squeeze %dma_start3A_177 : memref<1x128x32xf32, #tpu.memory_space<vmem>> -> memref<128x32xf32, #tpu.memory_space<vmem>>
    %dma_start3A_179 = arith.constant 0 : i32
    %dma_start3A_180 = tpu.memref_slice %arg5[%add3A_154, %dma_start3A_179] : memref<204800x64xf32, #tpu.memory_space<hbm>> -> memref<128x64xf32, #tpu.memory_space<hbm>>
    %dma_start3A_181 = arith.constant 0 : i32
    %dma_start3A_182 = arith.constant 32 : i32
    %dma_start3A_183 = tpu.memref_slice %dma_start3A_180[%dma_start3A_181, %dma_start3A_182] : memref<128x64xf32, #tpu.memory_space<hbm>> -> memref<128x32xf32, #tpu.memory_space<hbm>>
    %dma_start3A_184 = arith.constant 0 : i32
    %dma_start3A_185 = tpu.memref_slice %arg5[%add3A_154, %dma_start3A_184] : memref<204800x64xf32, #tpu.memory_space<hbm>> -> memref<128x64xf32, #tpu.memory_space<hbm>>
    %dma_start3A_186 = arith.constant 0 : i32
    %dma_start3A_187 = arith.constant 32 : i32
    %dma_start3A_188 = tpu.memref_slice %dma_start3A_185[%dma_start3A_186, %dma_start3A_187] : memref<128x64xf32, #tpu.memory_space<hbm>> -> memref<128x32xf32, #tpu.memory_space<hbm>>
    %dma_start3A_189 = arith.constant 0 : i32
    %dma_start3A_190 = arith.constant 0 : i32
    %dma_start3A_191 = tpu.memref_slice %arg8[%dma_start3A_174, %dma_start3A_189, %dma_start3A_190] : memref<5x128x32xf32, #tpu.memory_space<vmem>> -> memref<1x128x32xf32, #tpu.memory_space<vmem>>
    %dma_start3A_192 = tpu.memref_squeeze %dma_start3A_191 : memref<1x128x32xf32, #tpu.memory_space<vmem>> -> memref<128x32xf32, #tpu.memory_space<vmem>>
    tpu.enqueue_dma source(%dma_start3A_192 : memref<128x32xf32, #tpu.memory_space<vmem>>) target(%dma_start3A_188 : memref<128x32xf32, #tpu.memory_space<hbm>>) target_semaphore(%arg14 : memref<!tpu.dma_semaphore, #tpu.memory_space<semaphore_mem>>)
    %dma_wait3A_193 = arith.constant 46 : i32
    %dma_wait3A_194 = arith.constant 1 : i32
    %dma_wait3A_195 = arith.constant 0 : i32
    %dma_wait3A_196 = arith.constant 0 : i32
    %dma_wait3A_197 = tpu.memref_slice %arg7[%dma_wait3A_194, %dma_wait3A_195, %dma_wait3A_196] : memref<5x128x32xf32, #tpu.memory_space<vmem>> -> memref<1x128x32xf32, #tpu.memory_space<vmem>>
    %dma_wait3A_198 = tpu.memref_squeeze %dma_wait3A_197 : memref<1x128x32xf32, #tpu.memory_space<vmem>> -> memref<128x32xf32, #tpu.memory_space<vmem>>
    %dma_wait3A_199 = arith.constant 0 : i32
    %dma_wait3A_200 = tpu.memref_slice %arg6[%dma_wait3A_193, %dma_wait3A_199] : memref<50x128xi32, #tpu.memory_space<vmem>> -> memref<1x128xi32, #tpu.memory_space<vmem>>
    %dma_wait3A_201 = tpu.memref_squeeze %dma_wait3A_200 : memref<1x128xi32, #tpu.memory_space<vmem>> -> memref<128xi32, #tpu.memory_space<vmem>>
    %dma_wait3A_202 = arith.constant 0 : i32
    %dma_wait3A_203 = arith.constant 0 : i32
    %dma_wait3A_204 = tpu.memref_slice %arg3[%dma_wait3A_202, %dma_wait3A_203] : memref<1000000x32xf32, #tpu.memory_space<hbm>> -> memref<1000000x32xf32, #tpu.memory_space<hbm>>
    tpu.wait_indirect_dma semaphore(%arg10 : memref<!tpu.dma_semaphore, #tpu.memory_space<semaphore_mem>>) src(%dma_wait3A_204 : memref<1000000x32xf32, #tpu.memory_space<hbm>>) dst(%dma_wait3A_198 : memref<128x32xf32, #tpu.memory_space<vmem>>)
    %dma_wait3A_205 = arith.constant 46 : i32
    %dma_wait3A_206 = arith.constant 1 : i32
    %dma_wait3A_207 = arith.constant 0 : i32
    %dma_wait3A_208 = arith.constant 0 : i32
    %dma_wait3A_209 = tpu.memref_slice %arg8[%dma_wait3A_206, %dma_wait3A_207, %dma_wait3A_208] : memref<5x128x32xf32, #tpu.memory_space<vmem>> -> memref<1x128x32xf32, #tpu.memory_space<vmem>>
    %dma_wait3A_210 = tpu.memref_squeeze %dma_wait3A_209 : memref<1x128x32xf32, #tpu.memory_space<vmem>> -> memref<128x32xf32, #tpu.memory_space<vmem>>
    %dma_wait3A_211 = arith.constant 0 : i32
    %dma_wait3A_212 = tpu.memref_slice %arg6[%dma_wait3A_205, %dma_wait3A_211] : memref<50x128xi32, #tpu.memory_space<vmem>> -> memref<1x128xi32, #tpu.memory_space<vmem>>
    %dma_wait3A_213 = tpu.memref_squeeze %dma_wait3A_212 : memref<1x128xi32, #tpu.memory_space<vmem>> -> memref<128xi32, #tpu.memory_space<vmem>>
    %dma_wait3A_214 = arith.constant 0 : i32
    %dma_wait3A_215 = arith.constant 0 : i32
    %dma_wait3A_216 = tpu.memref_slice %arg4[%dma_wait3A_214, %dma_wait3A_215] : memref<1000000x32xf32, #tpu.memory_space<hbm>> -> memref<1000000x32xf32, #tpu.memory_space<hbm>>
    tpu.wait_indirect_dma semaphore(%arg10 : memref<!tpu.dma_semaphore, #tpu.memory_space<semaphore_mem>>) src(%dma_wait3A_216 : memref<1000000x32xf32, #tpu.memory_space<hbm>>) dst(%dma_wait3A_210 : memref<128x32xf32, #tpu.memory_space<vmem>>)
    %add3A_217 = arith.constant 5888 : i32
    %add3A_218 = arith.addi %mul3A_4, %add3A_217 : i32
    %dma_start3A_219 = arith.constant 1 : i32
    %dma_start3A_220 = arith.constant 0 : i32
    %dma_start3A_221 = arith.constant 0 : i32
    %dma_start3A_222 = tpu.memref_slice %arg7[%dma_start3A_219, %dma_start3A_220, %dma_start3A_221] : memref<5x128x32xf32, #tpu.memory_space<vmem>> -> memref<1x128x32xf32, #tpu.memory_space<vmem>>
    %dma_start3A_223 = tpu.memref_squeeze %dma_start3A_222 : memref<1x128x32xf32, #tpu.memory_space<vmem>> -> memref<128x32xf32, #tpu.memory_space<vmem>>
    %dma_start3A_224 = arith.constant 0 : i32
    %dma_start3A_225 = tpu.memref_slice %arg5[%add3A_218, %dma_start3A_224] : memref<204800x64xf32, #tpu.memory_space<hbm>> -> memref<128x64xf32, #tpu.memory_space<hbm>>
    %dma_start3A_226 = arith.constant 0 : i32
    %dma_start3A_227 = arith.constant 0 : i32
    %dma_start3A_228 = tpu.memref_slice %dma_start3A_225[%dma_start3A_226, %dma_start3A_227] : memref<128x64xf32, #tpu.memory_space<hbm>> -> memref<128x32xf32, #tpu.memory_space<hbm>>
    %dma_start3A_229 = arith.constant 0 : i32
    %dma_start3A_230 = tpu.memref_slice %arg5[%add3A_218, %dma_start3A_229] : memref<204800x64xf32, #tpu.memory_space<hbm>> -> memref<128x64xf32, #tpu.memory_space<hbm>>
    %dma_start3A_231 = arith.constant 0 : i32
    %dma_start3A_232 = arith.constant 0 : i32
    %dma_start3A_233 = tpu.memref_slice %dma_start3A_230[%dma_start3A_231, %dma_start3A_232] : memref<128x64xf32, #tpu.memory_space<hbm>> -> memref<128x32xf32, #tpu.memory_space<hbm>>
    %dma_start3A_234 = arith.constant 0 : i32
    %dma_start3A_235 = arith.constant 0 : i32
    %dma_start3A_236 = tpu.memref_slice %arg7[%dma_start3A_219, %dma_start3A_234, %dma_start3A_235] : memref<5x128x32xf32, #tpu.memory_space<vmem>> -> memref<1x128x32xf32, #tpu.memory_space<vmem>>
    %dma_start3A_237 = tpu.memref_squeeze %dma_start3A_236 : memref<1x128x32xf32, #tpu.memory_space<vmem>> -> memref<128x32xf32, #tpu.memory_space<vmem>>
    tpu.enqueue_dma source(%dma_start3A_237 : memref<128x32xf32, #tpu.memory_space<vmem>>) target(%dma_start3A_233 : memref<128x32xf32, #tpu.memory_space<hbm>>) target_semaphore(%arg15 : memref<!tpu.dma_semaphore, #tpu.memory_space<semaphore_mem>>)
    %dma_start3A_238 = arith.constant 1 : i32
    %dma_start3A_239 = arith.constant 0 : i32
    %dma_start3A_240 = arith.constant 0 : i32
    %dma_start3A_241 = tpu.memref_slice %arg8[%dma_start3A_238, %dma_start3A_239, %dma_start3A_240] : memref<5x128x32xf32, #tpu.memory_space<vmem>> -> memref<1x128x32xf32, #tpu.memory_space<vmem>>
    %dma_start3A_242 = tpu.memref_squeeze %dma_start3A_241 : memref<1x128x32xf32, #tpu.memory_space<vmem>> -> memref<128x32xf32, #tpu.memory_space<vmem>>
    %dma_start3A_243 = arith.constant 0 : i32
    %dma_start3A_244 = tpu.memref_slice %arg5[%add3A_218, %dma_start3A_243] : memref<204800x64xf32, #tpu.memory_space<hbm>> -> memref<128x64xf32, #tpu.memory_space<hbm>>
    %dma_start3A_245 = arith.constant 0 : i32
    %dma_start3A_246 = arith.constant 32 : i32
    %dma_start3A_247 = tpu.memref_slice %dma_start3A_244[%dma_start3A_245, %dma_start3A_246] : memref<128x64xf32, #tpu.memory_space<hbm>> -> memref<128x32xf32, #tpu.memory_space<hbm>>
    %dma_start3A_248 = arith.constant 0 : i32
    %dma_start3A_249 = tpu.memref_slice %arg5[%add3A_218, %dma_start3A_248] : memref<204800x64xf32, #tpu.memory_space<hbm>> -> memref<128x64xf32, #tpu.memory_space<hbm>>
    %dma_start3A_250 = arith.constant 0 : i32
    %dma_start3A_251 = arith.constant 32 : i32
    %dma_start3A_252 = tpu.memref_slice %dma_start3A_249[%dma_start3A_250, %dma_start3A_251] : memref<128x64xf32, #tpu.memory_space<hbm>> -> memref<128x32xf32, #tpu.memory_space<hbm>>
    %dma_start3A_253 = arith.constant 0 : i32
    %dma_start3A_254 = arith.constant 0 : i32
    %dma_start3A_255 = tpu.memref_slice %arg8[%dma_start3A_238, %dma_start3A_253, %dma_start3A_254] : memref<5x128x32xf32, #tpu.memory_space<vmem>> -> memref<1x128x32xf32, #tpu.memory_space<vmem>>
    %dma_start3A_256 = tpu.memref_squeeze %dma_start3A_255 : memref<1x128x32xf32, #tpu.memory_space<vmem>> -> memref<128x32xf32, #tpu.memory_space<vmem>>
    tpu.enqueue_dma source(%dma_start3A_256 : memref<128x32xf32, #tpu.memory_space<vmem>>) target(%dma_start3A_252 : memref<128x32xf32, #tpu.memory_space<hbm>>) target_semaphore(%arg15 : memref<!tpu.dma_semaphore, #tpu.memory_space<semaphore_mem>>)
    %dma_wait3A_257 = arith.constant 47 : i32
    %dma_wait3A_258 = arith.constant 2 : i32
    %dma_wait3A_259 = arith.constant 0 : i32
    %dma_wait3A_260 = arith.constant 0 : i32
    %dma_wait3A_261 = tpu.memref_slice %arg7[%dma_wait3A_258, %dma_wait3A_259, %dma_wait3A_260] : memref<5x128x32xf32, #tpu.memory_space<vmem>> -> memref<1x128x32xf32, #tpu.memory_space<vmem>>
    %dma_wait3A_262 = tpu.memref_squeeze %dma_wait3A_261 : memref<1x128x32xf32, #tpu.memory_space<vmem>> -> memref<128x32xf32, #tpu.memory_space<vmem>>
    %dma_wait3A_263 = arith.constant 0 : i32
    %dma_wait3A_264 = tpu.memref_slice %arg6[%dma_wait3A_257, %dma_wait3A_263] : memref<50x128xi32, #tpu.memory_space<vmem>> -> memref<1x128xi32, #tpu.memory_space<vmem>>
    %dma_wait3A_265 = tpu.memref_squeeze %dma_wait3A_264 : memref<1x128xi32, #tpu.memory_space<vmem>> -> memref<128xi32, #tpu.memory_space<vmem>>
    %dma_wait3A_266 = arith.constant 0 : i32
    %dma_wait3A_267 = arith.constant 0 : i32
    %dma_wait3A_268 = tpu.memref_slice %arg3[%dma_wait3A_266, %dma_wait3A_267] : memref<1000000x32xf32, #tpu.memory_space<hbm>> -> memref<1000000x32xf32, #tpu.memory_space<hbm>>
    tpu.wait_indirect_dma semaphore(%arg11 : memref<!tpu.dma_semaphore, #tpu.memory_space<semaphore_mem>>) src(%dma_wait3A_268 : memref<1000000x32xf32, #tpu.memory_space<hbm>>) dst(%dma_wait3A_262 : memref<128x32xf32, #tpu.memory_space<vmem>>)
    %dma_wait3A_269 = arith.constant 47 : i32
    %dma_wait3A_270 = arith.constant 2 : i32
    %dma_wait3A_271 = arith.constant 0 : i32
    %dma_wait3A_272 = arith.constant 0 : i32
    %dma_wait3A_273 = tpu.memref_slice %arg8[%dma_wait3A_270, %dma_wait3A_271, %dma_wait3A_272] : memref<5x128x32xf32, #tpu.memory_space<vmem>> -> memref<1x128x32xf32, #tpu.memory_space<vmem>>
    %dma_wait3A_274 = tpu.memref_squeeze %dma_wait3A_273 : memref<1x128x32xf32, #tpu.memory_space<vmem>> -> memref<128x32xf32, #tpu.memory_space<vmem>>
    %dma_wait3A_275 = arith.constant 0 : i32
    %dma_wait3A_276 = tpu.memref_slice %arg6[%dma_wait3A_269, %dma_wait3A_275] : memref<50x128xi32, #tpu.memory_space<vmem>> -> memref<1x128xi32, #tpu.memory_space<vmem>>
    %dma_wait3A_277 = tpu.memref_squeeze %dma_wait3A_276 : memref<1x128xi32, #tpu.memory_space<vmem>> -> memref<128xi32, #tpu.memory_space<vmem>>
    %dma_wait3A_278 = arith.constant 0 : i32
    %dma_wait3A_279 = arith.constant 0 : i32
    %dma_wait3A_280 = tpu.memref_slice %arg4[%dma_wait3A_278, %dma_wait3A_279] : memref<1000000x32xf32, #tpu.memory_space<hbm>> -> memref<1000000x32xf32, #tpu.memory_space<hbm>>
    tpu.wait_indirect_dma semaphore(%arg11 : memref<!tpu.dma_semaphore, #tpu.memory_space<semaphore_mem>>) src(%dma_wait3A_280 : memref<1000000x32xf32, #tpu.memory_space<hbm>>) dst(%dma_wait3A_274 : memref<128x32xf32, #tpu.memory_space<vmem>>)
    %add3A_281 = arith.constant 6016 : i32
    %add3A_282 = arith.addi %mul3A_4, %add3A_281 : i32
    %dma_start3A_283 = arith.constant 2 : i32
    %dma_start3A_284 = arith.constant 0 : i32
    %dma_start3A_285 = arith.constant 0 : i32
    %dma_start3A_286 = tpu.memref_slice %arg7[%dma_start3A_283, %dma_start3A_284, %dma_start3A_285] : memref<5x128x32xf32, #tpu.memory_space<vmem>> -> memref<1x128x32xf32, #tpu.memory_space<vmem>>
    %dma_start3A_287 = tpu.memref_squeeze %dma_start3A_286 : memref<1x128x32xf32, #tpu.memory_space<vmem>> -> memref<128x32xf32, #tpu.memory_space<vmem>>
    %dma_start3A_288 = arith.constant 0 : i32
    %dma_start3A_289 = tpu.memref_slice %arg5[%add3A_282, %dma_start3A_288] : memref<204800x64xf32, #tpu.memory_space<hbm>> -> memref<128x64xf32, #tpu.memory_space<hbm>>
    %dma_start3A_290 = arith.constant 0 : i32
    %dma_start3A_291 = arith.constant 0 : i32
    %dma_start3A_292 = tpu.memref_slice %dma_start3A_289[%dma_start3A_290, %dma_start3A_291] : memref<128x64xf32, #tpu.memory_space<hbm>> -> memref<128x32xf32, #tpu.memory_space<hbm>>
    %dma_start3A_293 = arith.constant 0 : i32
    %dma_start3A_294 = tpu.memref_slice %arg5[%add3A_282, %dma_start3A_293] : memref<204800x64xf32, #tpu.memory_space<hbm>> -> memref<128x64xf32, #tpu.memory_space<hbm>>
    %dma_start3A_295 = arith.constant 0 : i32
    %dma_start3A_296 = arith.constant 0 : i32
    %dma_start3A_297 = tpu.memref_slice %dma_start3A_294[%dma_start3A_295, %dma_start3A_296] : memref<128x64xf32, #tpu.memory_space<hbm>> -> memref<128x32xf32, #tpu.memory_space<hbm>>
    %dma_start3A_298 = arith.constant 0 : i32
    %dma_start3A_299 = arith.constant 0 : i32
    %dma_start3A_300 = tpu.memref_slice %arg7[%dma_start3A_283, %dma_start3A_298, %dma_start3A_299] : memref<5x128x32xf32, #tpu.memory_space<vmem>> -> memref<1x128x32xf32, #tpu.memory_space<vmem>>
    %dma_start3A_301 = tpu.memref_squeeze %dma_start3A_300 : memref<1x128x32xf32, #tpu.memory_space<vmem>> -> memref<128x32xf32, #tpu.memory_space<vmem>>
    tpu.enqueue_dma source(%dma_start3A_301 : memref<128x32xf32, #tpu.memory_space<vmem>>) target(%dma_start3A_297 : memref<128x32xf32, #tpu.memory_space<hbm>>) target_semaphore(%arg16 : memref<!tpu.dma_semaphore, #tpu.memory_space<semaphore_mem>>)
    %dma_start3A_302 = arith.constant 2 : i32
    %dma_start3A_303 = arith.constant 0 : i32
    %dma_start3A_304 = arith.constant 0 : i32
    %dma_start3A_305 = tpu.memref_slice %arg8[%dma_start3A_302, %dma_start3A_303, %dma_start3A_304] : memref<5x128x32xf32, #tpu.memory_space<vmem>> -> memref<1x128x32xf32, #tpu.memory_space<vmem>>
    %dma_start3A_306 = tpu.memref_squeeze %dma_start3A_305 : memref<1x128x32xf32, #tpu.memory_space<vmem>> -> memref<128x32xf32, #tpu.memory_space<vmem>>
    %dma_start3A_307 = arith.constant 0 : i32
    %dma_start3A_308 = tpu.memref_slice %arg5[%add3A_282, %dma_start3A_307] : memref<204800x64xf32, #tpu.memory_space<hbm>> -> memref<128x64xf32, #tpu.memory_space<hbm>>
    %dma_start3A_309 = arith.constant 0 : i32
    %dma_start3A_310 = arith.constant 32 : i32
    %dma_start3A_311 = tpu.memref_slice %dma_start3A_308[%dma_start3A_309, %dma_start3A_310] : memref<128x64xf32, #tpu.memory_space<hbm>> -> memref<128x32xf32, #tpu.memory_space<hbm>>
    %dma_start3A_312 = arith.constant 0 : i32
    %dma_start3A_313 = tpu.memref_slice %arg5[%add3A_282, %dma_start3A_312] : memref<204800x64xf32, #tpu.memory_space<hbm>> -> memref<128x64xf32, #tpu.memory_space<hbm>>
    %dma_start3A_314 = arith.constant 0 : i32
    %dma_start3A_315 = arith.constant 32 : i32
    %dma_start3A_316 = tpu.memref_slice %dma_start3A_313[%dma_start3A_314, %dma_start3A_315] : memref<128x64xf32, #tpu.memory_space<hbm>> -> memref<128x32xf32, #tpu.memory_space<hbm>>
    %dma_start3A_317 = arith.constant 0 : i32
    %dma_start3A_318 = arith.constant 0 : i32
    %dma_start3A_319 = tpu.memref_slice %arg8[%dma_start3A_302, %dma_start3A_317, %dma_start3A_318] : memref<5x128x32xf32, #tpu.memory_space<vmem>> -> memref<1x128x32xf32, #tpu.memory_space<vmem>>
    %dma_start3A_320 = tpu.memref_squeeze %dma_start3A_319 : memref<1x128x32xf32, #tpu.memory_space<vmem>> -> memref<128x32xf32, #tpu.memory_space<vmem>>
    tpu.enqueue_dma source(%dma_start3A_320 : memref<128x32xf32, #tpu.memory_space<vmem>>) target(%dma_start3A_316 : memref<128x32xf32, #tpu.memory_space<hbm>>) target_semaphore(%arg16 : memref<!tpu.dma_semaphore, #tpu.memory_space<semaphore_mem>>)
    %dma_wait3A_321 = arith.constant 48 : i32
    %dma_wait3A_322 = arith.constant 3 : i32
    %dma_wait3A_323 = arith.constant 0 : i32
    %dma_wait3A_324 = arith.constant 0 : i32
    %dma_wait3A_325 = tpu.memref_slice %arg7[%dma_wait3A_322, %dma_wait3A_323, %dma_wait3A_324] : memref<5x128x32xf32, #tpu.memory_space<vmem>> -> memref<1x128x32xf32, #tpu.memory_space<vmem>>
    %dma_wait3A_326 = tpu.memref_squeeze %dma_wait3A_325 : memref<1x128x32xf32, #tpu.memory_space<vmem>> -> memref<128x32xf32, #tpu.memory_space<vmem>>
    %dma_wait3A_327 = arith.constant 0 : i32
    %dma_wait3A_328 = tpu.memref_slice %arg6[%dma_wait3A_321, %dma_wait3A_327] : memref<50x128xi32, #tpu.memory_space<vmem>> -> memref<1x128xi32, #tpu.memory_space<vmem>>
    %dma_wait3A_329 = tpu.memref_squeeze %dma_wait3A_328 : memref<1x128xi32, #tpu.memory_space<vmem>> -> memref<128xi32, #tpu.memory_space<vmem>>
    %dma_wait3A_330 = arith.constant 0 : i32
    %dma_wait3A_331 = arith.constant 0 : i32
    %dma_wait3A_332 = tpu.memref_slice %arg3[%dma_wait3A_330, %dma_wait3A_331] : memref<1000000x32xf32, #tpu.memory_space<hbm>> -> memref<1000000x32xf32, #tpu.memory_space<hbm>>
    tpu.wait_indirect_dma semaphore(%arg12 : memref<!tpu.dma_semaphore, #tpu.memory_space<semaphore_mem>>) src(%dma_wait3A_332 : memref<1000000x32xf32, #tpu.memory_space<hbm>>) dst(%dma_wait3A_326 : memref<128x32xf32, #tpu.memory_space<vmem>>)
    %dma_wait3A_333 = arith.constant 48 : i32
    %dma_wait3A_334 = arith.constant 3 : i32
    %dma_wait3A_335 = arith.constant 0 : i32
    %dma_wait3A_336 = arith.constant 0 : i32
    %dma_wait3A_337 = tpu.memref_slice %arg8[%dma_wait3A_334, %dma_wait3A_335, %dma_wait3A_336] : memref<5x128x32xf32, #tpu.memory_space<vmem>> -> memref<1x128x32xf32, #tpu.memory_space<vmem>>
    %dma_wait3A_338 = tpu.memref_squeeze %dma_wait3A_337 : memref<1x128x32xf32, #tpu.memory_space<vmem>> -> memref<128x32xf32, #tpu.memory_space<vmem>>
    %dma_wait3A_339 = arith.constant 0 : i32
    %dma_wait3A_340 = tpu.memref_slice %arg6[%dma_wait3A_333, %dma_wait3A_339] : memref<50x128xi32, #tpu.memory_space<vmem>> -> memref<1x128xi32, #tpu.memory_space<vmem>>
    %dma_wait3A_341 = tpu.memref_squeeze %dma_wait3A_340 : memref<1x128xi32, #tpu.memory_space<vmem>> -> memref<128xi32, #tpu.memory_space<vmem>>
    %dma_wait3A_342 = arith.constant 0 : i32
    %dma_wait3A_343 = arith.constant 0 : i32
    %dma_wait3A_344 = tpu.memref_slice %arg4[%dma_wait3A_342, %dma_wait3A_343] : memref<1000000x32xf32, #tpu.memory_space<hbm>> -> memref<1000000x32xf32, #tpu.memory_space<hbm>>
    tpu.wait_indirect_dma semaphore(%arg12 : memref<!tpu.dma_semaphore, #tpu.memory_space<semaphore_mem>>) src(%dma_wait3A_344 : memref<1000000x32xf32, #tpu.memory_space<hbm>>) dst(%dma_wait3A_338 : memref<128x32xf32, #tpu.memory_space<vmem>>)
    %add3A_345 = arith.constant 6144 : i32
    %add3A_346 = arith.addi %mul3A_4, %add3A_345 : i32
    %dma_start3A_347 = arith.constant 3 : i32
    %dma_start3A_348 = arith.constant 0 : i32
    %dma_start3A_349 = arith.constant 0 : i32
    %dma_start3A_350 = tpu.memref_slice %arg7[%dma_start3A_347, %dma_start3A_348, %dma_start3A_349] : memref<5x128x32xf32, #tpu.memory_space<vmem>> -> memref<1x128x32xf32, #tpu.memory_space<vmem>>
    %dma_start3A_351 = tpu.memref_squeeze %dma_start3A_350 : memref<1x128x32xf32, #tpu.memory_space<vmem>> -> memref<128x32xf32, #tpu.memory_space<vmem>>
    %dma_start3A_352 = arith.constant 0 : i32
    %dma_start3A_353 = tpu.memref_slice %arg5[%add3A_346, %dma_start3A_352] : memref<204800x64xf32, #tpu.memory_space<hbm>> -> memref<128x64xf32, #tpu.memory_space<hbm>>
    %dma_start3A_354 = arith.constant 0 : i32
    %dma_start3A_355 = arith.constant 0 : i32
    %dma_start3A_356 = tpu.memref_slice %dma_start3A_353[%dma_start3A_354, %dma_start3A_355] : memref<128x64xf32, #tpu.memory_space<hbm>> -> memref<128x32xf32, #tpu.memory_space<hbm>>
    %dma_start3A_357 = arith.constant 0 : i32
    %dma_start3A_358 = tpu.memref_slice %arg5[%add3A_346, %dma_start3A_357] : memref<204800x64xf32, #tpu.memory_space<hbm>> -> memref<128x64xf32, #tpu.memory_space<hbm>>
    %dma_start3A_359 = arith.constant 0 : i32
    %dma_start3A_360 = arith.constant 0 : i32
    %dma_start3A_361 = tpu.memref_slice %dma_start3A_358[%dma_start3A_359, %dma_start3A_360] : memref<128x64xf32, #tpu.memory_space<hbm>> -> memref<128x32xf32, #tpu.memory_space<hbm>>
    %dma_start3A_362 = arith.constant 0 : i32
    %dma_start3A_363 = arith.constant 0 : i32
    %dma_start3A_364 = tpu.memref_slice %arg7[%dma_start3A_347, %dma_start3A_362, %dma_start3A_363] : memref<5x128x32xf32, #tpu.memory_space<vmem>> -> memref<1x128x32xf32, #tpu.memory_space<vmem>>
    %dma_start3A_365 = tpu.memref_squeeze %dma_start3A_364 : memref<1x128x32xf32, #tpu.memory_space<vmem>> -> memref<128x32xf32, #tpu.memory_space<vmem>>
    tpu.enqueue_dma source(%dma_start3A_365 : memref<128x32xf32, #tpu.memory_space<vmem>>) target(%dma_start3A_361 : memref<128x32xf32, #tpu.memory_space<hbm>>) target_semaphore(%arg17 : memref<!tpu.dma_semaphore, #tpu.memory_space<semaphore_mem>>)
    %dma_start3A_366 = arith.constant 3 : i32
    %dma_start3A_367 = arith.constant 0 : i32
    %dma_start3A_368 = arith.constant 0 : i32
    %dma_start3A_369 = tpu.memref_slice %arg8[%dma_start3A_366, %dma_start3A_367, %dma_start3A_368] : memref<5x128x32xf32, #tpu.memory_space<vmem>> -> memref<1x128x32xf32, #tpu.memory_space<vmem>>
    %dma_start3A_370 = tpu.memref_squeeze %dma_start3A_369 : memref<1x128x32xf32, #tpu.memory_space<vmem>> -> memref<128x32xf32, #tpu.memory_space<vmem>>
    %dma_start3A_371 = arith.constant 0 : i32
    %dma_start3A_372 = tpu.memref_slice %arg5[%add3A_346, %dma_start3A_371] : memref<204800x64xf32, #tpu.memory_space<hbm>> -> memref<128x64xf32, #tpu.memory_space<hbm>>
    %dma_start3A_373 = arith.constant 0 : i32
    %dma_start3A_374 = arith.constant 32 : i32
    %dma_start3A_375 = tpu.memref_slice %dma_start3A_372[%dma_start3A_373, %dma_start3A_374] : memref<128x64xf32, #tpu.memory_space<hbm>> -> memref<128x32xf32, #tpu.memory_space<hbm>>
    %dma_start3A_376 = arith.constant 0 : i32
    %dma_start3A_377 = tpu.memref_slice %arg5[%add3A_346, %dma_start3A_376] : memref<204800x64xf32, #tpu.memory_space<hbm>> -> memref<128x64xf32, #tpu.memory_space<hbm>>
    %dma_start3A_378 = arith.constant 0 : i32
    %dma_start3A_379 = arith.constant 32 : i32
    %dma_start3A_380 = tpu.memref_slice %dma_start3A_377[%dma_start3A_378, %dma_start3A_379] : memref<128x64xf32, #tpu.memory_space<hbm>> -> memref<128x32xf32, #tpu.memory_space<hbm>>
    %dma_start3A_381 = arith.constant 0 : i32
    %dma_start3A_382 = arith.constant 0 : i32
    %dma_start3A_383 = tpu.memref_slice %arg8[%dma_start3A_366, %dma_start3A_381, %dma_start3A_382] : memref<5x128x32xf32, #tpu.memory_space<vmem>> -> memref<1x128x32xf32, #tpu.memory_space<vmem>>
    %dma_start3A_384 = tpu.memref_squeeze %dma_start3A_383 : memref<1x128x32xf32, #tpu.memory_space<vmem>> -> memref<128x32xf32, #tpu.memory_space<vmem>>
    tpu.enqueue_dma source(%dma_start3A_384 : memref<128x32xf32, #tpu.memory_space<vmem>>) target(%dma_start3A_380 : memref<128x32xf32, #tpu.memory_space<hbm>>) target_semaphore(%arg17 : memref<!tpu.dma_semaphore, #tpu.memory_space<semaphore_mem>>)
    %dma_wait3A_385 = arith.constant 49 : i32
    %dma_wait3A_386 = arith.constant 4 : i32
    %dma_wait3A_387 = arith.constant 0 : i32
    %dma_wait3A_388 = arith.constant 0 : i32
    %dma_wait3A_389 = tpu.memref_slice %arg7[%dma_wait3A_386, %dma_wait3A_387, %dma_wait3A_388] : memref<5x128x32xf32, #tpu.memory_space<vmem>> -> memref<1x128x32xf32, #tpu.memory_space<vmem>>
    %dma_wait3A_390 = tpu.memref_squeeze %dma_wait3A_389 : memref<1x128x32xf32, #tpu.memory_space<vmem>> -> memref<128x32xf32, #tpu.memory_space<vmem>>
    %dma_wait3A_391 = arith.constant 0 : i32
    %dma_wait3A_392 = tpu.memref_slice %arg6[%dma_wait3A_385, %dma_wait3A_391] : memref<50x128xi32, #tpu.memory_space<vmem>> -> memref<1x128xi32, #tpu.memory_space<vmem>>
    %dma_wait3A_393 = tpu.memref_squeeze %dma_wait3A_392 : memref<1x128xi32, #tpu.memory_space<vmem>> -> memref<128xi32, #tpu.memory_space<vmem>>
    %dma_wait3A_394 = arith.constant 0 : i32
    %dma_wait3A_395 = arith.constant 0 : i32
    %dma_wait3A_396 = tpu.memref_slice %arg3[%dma_wait3A_394, %dma_wait3A_395] : memref<1000000x32xf32, #tpu.memory_space<hbm>> -> memref<1000000x32xf32, #tpu.memory_space<hbm>>
    tpu.wait_indirect_dma semaphore(%arg13 : memref<!tpu.dma_semaphore, #tpu.memory_space<semaphore_mem>>) src(%dma_wait3A_396 : memref<1000000x32xf32, #tpu.memory_space<hbm>>) dst(%dma_wait3A_390 : memref<128x32xf32, #tpu.memory_space<vmem>>)
    %dma_wait3A_397 = arith.constant 49 : i32
    %dma_wait3A_398 = arith.constant 4 : i32
    %dma_wait3A_399 = arith.constant 0 : i32
    %dma_wait3A_400 = arith.constant 0 : i32
    %dma_wait3A_401 = tpu.memref_slice %arg8[%dma_wait3A_398, %dma_wait3A_399, %dma_wait3A_400] : memref<5x128x32xf32, #tpu.memory_space<vmem>> -> memref<1x128x32xf32, #tpu.memory_space<vmem>>
    %dma_wait3A_402 = tpu.memref_squeeze %dma_wait3A_401 : memref<1x128x32xf32, #tpu.memory_space<vmem>> -> memref<128x32xf32, #tpu.memory_space<vmem>>
    %dma_wait3A_403 = arith.constant 0 : i32
    %dma_wait3A_404 = tpu.memref_slice %arg6[%dma_wait3A_397, %dma_wait3A_403] : memref<50x128xi32, #tpu.memory_space<vmem>> -> memref<1x128xi32, #tpu.memory_space<vmem>>
    %dma_wait3A_405 = tpu.memref_squeeze %dma_wait3A_404 : memref<1x128xi32, #tpu.memory_space<vmem>> -> memref<128xi32, #tpu.memory_space<vmem>>
    %dma_wait3A_406 = arith.constant 0 : i32
    %dma_wait3A_407 = arith.constant 0 : i32
    %dma_wait3A_408 = tpu.memref_slice %arg4[%dma_wait3A_406, %dma_wait3A_407] : memref<1000000x32xf32, #tpu.memory_space<hbm>> -> memref<1000000x32xf32, #tpu.memory_space<hbm>>
    tpu.wait_indirect_dma semaphore(%arg13 : memref<!tpu.dma_semaphore, #tpu.memory_space<semaphore_mem>>) src(%dma_wait3A_408 : memref<1000000x32xf32, #tpu.memory_space<hbm>>) dst(%dma_wait3A_402 : memref<128x32xf32, #tpu.memory_space<vmem>>)
    %add3A_409 = arith.constant 6272 : i32
    %add3A_410 = arith.addi %mul3A_4, %add3A_409 : i32
    %dma_start3A_411 = arith.constant 4 : i32
    %dma_start3A_412 = arith.constant 0 : i32
    %dma_start3A_413 = arith.constant 0 : i32
    %dma_start3A_414 = tpu.memref_slice %arg7[%dma_start3A_411, %dma_start3A_412, %dma_start3A_413] : memref<5x128x32xf32, #tpu.memory_space<vmem>> -> memref<1x128x32xf32, #tpu.memory_space<vmem>>
    %dma_start3A_415 = tpu.memref_squeeze %dma_start3A_414 : memref<1x128x32xf32, #tpu.memory_space<vmem>> -> memref<128x32xf32, #tpu.memory_space<vmem>>
    %dma_start3A_416 = arith.constant 0 : i32
    %dma_start3A_417 = tpu.memref_slice %arg5[%add3A_410, %dma_start3A_416] : memref<204800x64xf32, #tpu.memory_space<hbm>> -> memref<128x64xf32, #tpu.memory_space<hbm>>
    %dma_start3A_418 = arith.constant 0 : i32
    %dma_start3A_419 = arith.constant 0 : i32
    %dma_start3A_420 = tpu.memref_slice %dma_start3A_417[%dma_start3A_418, %dma_start3A_419] : memref<128x64xf32, #tpu.memory_space<hbm>> -> memref<128x32xf32, #tpu.memory_space<hbm>>
    %dma_start3A_421 = arith.constant 0 : i32
    %dma_start3A_422 = tpu.memref_slice %arg5[%add3A_410, %dma_start3A_421] : memref<204800x64xf32, #tpu.memory_space<hbm>> -> memref<128x64xf32, #tpu.memory_space<hbm>>
    %dma_start3A_423 = arith.constant 0 : i32
    %dma_start3A_424 = arith.constant 0 : i32
    %dma_start3A_425 = tpu.memref_slice %dma_start3A_422[%dma_start3A_423, %dma_start3A_424] : memref<128x64xf32, #tpu.memory_space<hbm>> -> memref<128x32xf32, #tpu.memory_space<hbm>>
    %dma_start3A_426 = arith.constant 0 : i32
    %dma_start3A_427 = arith.constant 0 : i32
    %dma_start3A_428 = tpu.memref_slice %arg7[%dma_start3A_411, %dma_start3A_426, %dma_start3A_427] : memref<5x128x32xf32, #tpu.memory_space<vmem>> -> memref<1x128x32xf32, #tpu.memory_space<vmem>>
    %dma_start3A_429 = tpu.memref_squeeze %dma_start3A_428 : memref<1x128x32xf32, #tpu.memory_space<vmem>> -> memref<128x32xf32, #tpu.memory_space<vmem>>
    tpu.enqueue_dma source(%dma_start3A_429 : memref<128x32xf32, #tpu.memory_space<vmem>>) target(%dma_start3A_425 : memref<128x32xf32, #tpu.memory_space<hbm>>) target_semaphore(%arg18 : memref<!tpu.dma_semaphore, #tpu.memory_space<semaphore_mem>>)
    %dma_start3A_430 = arith.constant 4 : i32
    %dma_start3A_431 = arith.constant 0 : i32
    %dma_start3A_432 = arith.constant 0 : i32
    %dma_start3A_433 = tpu.memref_slice %arg8[%dma_start3A_430, %dma_start3A_431, %dma_start3A_432] : memref<5x128x32xf32, #tpu.memory_space<vmem>> -> memref<1x128x32xf32, #tpu.memory_space<vmem>>
    %dma_start3A_434 = tpu.memref_squeeze %dma_start3A_433 : memref<1x128x32xf32, #tpu.memory_space<vmem>> -> memref<128x32xf32, #tpu.memory_space<vmem>>
    %dma_start3A_435 = arith.constant 0 : i32
    %dma_start3A_436 = tpu.memref_slice %arg5[%add3A_410, %dma_start3A_435] : memref<204800x64xf32, #tpu.memory_space<hbm>> -> memref<128x64xf32, #tpu.memory_space<hbm>>
    %dma_start3A_437 = arith.constant 0 : i32
    %dma_start3A_438 = arith.constant 32 : i32
    %dma_start3A_439 = tpu.memref_slice %dma_start3A_436[%dma_start3A_437, %dma_start3A_438] : memref<128x64xf32, #tpu.memory_space<hbm>> -> memref<128x32xf32, #tpu.memory_space<hbm>>
    %dma_start3A_440 = arith.constant 0 : i32
    %dma_start3A_441 = tpu.memref_slice %arg5[%add3A_410, %dma_start3A_440] : memref<204800x64xf32, #tpu.memory_space<hbm>> -> memref<128x64xf32, #tpu.memory_space<hbm>>
    %dma_start3A_442 = arith.constant 0 : i32
    %dma_start3A_443 = arith.constant 32 : i32
    %dma_start3A_444 = tpu.memref_slice %dma_start3A_441[%dma_start3A_442, %dma_start3A_443] : memref<128x64xf32, #tpu.memory_space<hbm>> -> memref<128x32xf32, #tpu.memory_space<hbm>>
    %dma_start3A_445 = arith.constant 0 : i32
    %dma_start3A_446 = arith.constant 0 : i32
    %dma_start3A_447 = tpu.memref_slice %arg8[%dma_start3A_430, %dma_start3A_445, %dma_start3A_446] : memref<5x128x32xf32, #tpu.memory_space<vmem>> -> memref<1x128x32xf32, #tpu.memory_space<vmem>>
    %dma_start3A_448 = tpu.memref_squeeze %dma_start3A_447 : memref<1x128x32xf32, #tpu.memory_space<vmem>> -> memref<128x32xf32, #tpu.memory_space<vmem>>
    tpu.enqueue_dma source(%dma_start3A_448 : memref<128x32xf32, #tpu.memory_space<vmem>>) target(%dma_start3A_444 : memref<128x32xf32, #tpu.memory_space<hbm>>) target_semaphore(%arg18 : memref<!tpu.dma_semaphore, #tpu.memory_space<semaphore_mem>>)
    %dma_wait3A_449 = arith.constant 0 : i32
    %dma_wait3A_450 = arith.constant 0 : i32
    %dma_wait3A_451 = arith.constant 0 : i32
    %dma_wait3A_452 = tpu.memref_slice %arg7[%dma_wait3A_449, %dma_wait3A_450, %dma_wait3A_451] : memref<5x128x32xf32, #tpu.memory_space<vmem>> -> memref<1x128x32xf32, #tpu.memory_space<vmem>>
    %dma_wait3A_453 = tpu.memref_squeeze %dma_wait3A_452 : memref<1x128x32xf32, #tpu.memory_space<vmem>> -> memref<128x32xf32, #tpu.memory_space<vmem>>
    %dma_wait3A_454 = arith.constant 0 : i32
    %dma_wait3A_455 = tpu.memref_slice %arg5[%add3A_154, %dma_wait3A_454] : memref<204800x64xf32, #tpu.memory_space<hbm>> -> memref<128x64xf32, #tpu.memory_space<hbm>>
    %dma_wait3A_456 = arith.constant 0 : i32
    %dma_wait3A_457 = arith.constant 0 : i32
    %dma_wait3A_458 = tpu.memref_slice %dma_wait3A_455[%dma_wait3A_456, %dma_wait3A_457] : memref<128x64xf32, #tpu.memory_space<hbm>> -> memref<128x32xf32, #tpu.memory_space<hbm>>
    %dma_wait3A_459 = arith.constant 0 : i32
    %dma_wait3A_460 = tpu.memref_slice %arg5[%add3A_154, %dma_wait3A_459] : memref<204800x64xf32, #tpu.memory_space<hbm>> -> memref<128x64xf32, #tpu.memory_space<hbm>>
    %dma_wait3A_461 = arith.constant 0 : i32
    %dma_wait3A_462 = arith.constant 0 : i32
    %dma_wait3A_463 = tpu.memref_slice %dma_wait3A_460[%dma_wait3A_461, %dma_wait3A_462] : memref<128x64xf32, #tpu.memory_space<hbm>> -> memref<128x32xf32, #tpu.memory_space<hbm>>
    %dma_wait3A_464 = arith.constant 0 : i32
    %dma_wait3A_465 = arith.constant 0 : i32
    %dma_wait3A_466 = tpu.memref_slice %arg7[%dma_wait3A_449, %dma_wait3A_464, %dma_wait3A_465] : memref<5x128x32xf32, #tpu.memory_space<vmem>> -> memref<1x128x32xf32, #tpu.memory_space<vmem>>
    %dma_wait3A_467 = tpu.memref_squeeze %dma_wait3A_466 : memref<1x128x32xf32, #tpu.memory_space<vmem>> -> memref<128x32xf32, #tpu.memory_space<vmem>>
    tpu.wait_dma2 semaphore(%arg14 : memref<!tpu.dma_semaphore, #tpu.memory_space<semaphore_mem>>) src(%dma_wait3A_467 : memref<128x32xf32, #tpu.memory_space<vmem>>) dst(%dma_wait3A_463 : memref<128x32xf32, #tpu.memory_space<hbm>>)
    %dma_wait3A_468 = arith.constant 0 : i32
    %dma_wait3A_469 = arith.constant 0 : i32
    %dma_wait3A_470 = arith.constant 0 : i32
    %dma_wait3A_471 = tpu.memref_slice %arg8[%dma_wait3A_468, %dma_wait3A_469, %dma_wait3A_470] : memref<5x128x32xf32, #tpu.memory_space<vmem>> -> memref<1x128x32xf32, #tpu.memory_space<vmem>>
    %dma_wait3A_472 = tpu.memref_squeeze %dma_wait3A_471 : memref<1x128x32xf32, #tpu.memory_space<vmem>> -> memref<128x32xf32, #tpu.memory_space<vmem>>
    %dma_wait3A_473 = arith.constant 0 : i32
    %dma_wait3A_474 = tpu.memref_slice %arg5[%add3A_154, %dma_wait3A_473] : memref<204800x64xf32, #tpu.memory_space<hbm>> -> memref<128x64xf32, #tpu.memory_space<hbm>>
    %dma_wait3A_475 = arith.constant 0 : i32
    %dma_wait3A_476 = arith.constant 32 : i32
    %dma_wait3A_477 = tpu.memref_slice %dma_wait3A_474[%dma_wait3A_475, %dma_wait3A_476] : memref<128x64xf32, #tpu.memory_space<hbm>> -> memref<128x32xf32, #tpu.memory_space<hbm>>
    %dma_wait3A_478 = arith.constant 0 : i32
    %dma_wait3A_479 = tpu.memref_slice %arg5[%add3A_154, %dma_wait3A_478] : memref<204800x64xf32, #tpu.memory_space<hbm>> -> memref<128x64xf32, #tpu.memory_space<hbm>>
    %dma_wait3A_480 = arith.constant 0 : i32
    %dma_wait3A_481 = arith.constant 32 : i32
    %dma_wait3A_482 = tpu.memref_slice %dma_wait3A_479[%dma_wait3A_480, %dma_wait3A_481] : memref<128x64xf32, #tpu.memory_space<hbm>> -> memref<128x32xf32, #tpu.memory_space<hbm>>
    %dma_wait3A_483 = arith.constant 0 : i32
    %dma_wait3A_484 = arith.constant 0 : i32
    %dma_wait3A_485 = tpu.memref_slice %arg8[%dma_wait3A_468, %dma_wait3A_483, %dma_wait3A_484] : memref<5x128x32xf32, #tpu.memory_space<vmem>> -> memref<1x128x32xf32, #tpu.memory_space<vmem>>
    %dma_wait3A_486 = tpu.memref_squeeze %dma_wait3A_485 : memref<1x128x32xf32, #tpu.memory_space<vmem>> -> memref<128x32xf32, #tpu.memory_space<vmem>>
    tpu.wait_dma2 semaphore(%arg14 : memref<!tpu.dma_semaphore, #tpu.memory_space<semaphore_mem>>) src(%dma_wait3A_486 : memref<128x32xf32, #tpu.memory_space<vmem>>) dst(%dma_wait3A_482 : memref<128x32xf32, #tpu.memory_space<hbm>>)
    %dma_wait3A_487 = arith.constant 1 : i32
    %dma_wait3A_488 = arith.constant 0 : i32
    %dma_wait3A_489 = arith.constant 0 : i32
    %dma_wait3A_490 = tpu.memref_slice %arg7[%dma_wait3A_487, %dma_wait3A_488, %dma_wait3A_489] : memref<5x128x32xf32, #tpu.memory_space<vmem>> -> memref<1x128x32xf32, #tpu.memory_space<vmem>>
    %dma_wait3A_491 = tpu.memref_squeeze %dma_wait3A_490 : memref<1x128x32xf32, #tpu.memory_space<vmem>> -> memref<128x32xf32, #tpu.memory_space<vmem>>
    %dma_wait3A_492 = arith.constant 0 : i32
    %dma_wait3A_493 = tpu.memref_slice %arg5[%add3A_218, %dma_wait3A_492] : memref<204800x64xf32, #tpu.memory_space<hbm>> -> memref<128x64xf32, #tpu.memory_space<hbm>>
    %dma_wait3A_494 = arith.constant 0 : i32
    %dma_wait3A_495 = arith.constant 0 : i32
    %dma_wait3A_496 = tpu.memref_slice %dma_wait3A_493[%dma_wait3A_494, %dma_wait3A_495] : memref<128x64xf32, #tpu.memory_space<hbm>> -> memref<128x32xf32, #tpu.memory_space<hbm>>
    %dma_wait3A_497 = arith.constant 0 : i32
    %dma_wait3A_498 = tpu.memref_slice %arg5[%add3A_218, %dma_wait3A_497] : memref<204800x64xf32, #tpu.memory_space<hbm>> -> memref<128x64xf32, #tpu.memory_space<hbm>>
    %dma_wait3A_499 = arith.constant 0 : i32
    %dma_wait3A_500 = arith.constant 0 : i32
    %dma_wait3A_501 = tpu.memref_slice %dma_wait3A_498[%dma_wait3A_499, %dma_wait3A_500] : memref<128x64xf32, #tpu.memory_space<hbm>> -> memref<128x32xf32, #tpu.memory_space<hbm>>
    %dma_wait3A_502 = arith.constant 0 : i32
    %dma_wait3A_503 = arith.constant 0 : i32
    %dma_wait3A_504 = tpu.memref_slice %arg7[%dma_wait3A_487, %dma_wait3A_502, %dma_wait3A_503] : memref<5x128x32xf32, #tpu.memory_space<vmem>> -> memref<1x128x32xf32, #tpu.memory_space<vmem>>
    %dma_wait3A_505 = tpu.memref_squeeze %dma_wait3A_504 : memref<1x128x32xf32, #tpu.memory_space<vmem>> -> memref<128x32xf32, #tpu.memory_space<vmem>>
    tpu.wait_dma2 semaphore(%arg15 : memref<!tpu.dma_semaphore, #tpu.memory_space<semaphore_mem>>) src(%dma_wait3A_505 : memref<128x32xf32, #tpu.memory_space<vmem>>) dst(%dma_wait3A_501 : memref<128x32xf32, #tpu.memory_space<hbm>>)
    %dma_wait3A_506 = arith.constant 1 : i32
    %dma_wait3A_507 = arith.constant 0 : i32
    %dma_wait3A_508 = arith.constant 0 : i32
    %dma_wait3A_509 = tpu.memref_slice %arg8[%dma_wait3A_506, %dma_wait3A_507, %dma_wait3A_508] : memref<5x128x32xf32, #tpu.memory_space<vmem>> -> memref<1x128x32xf32, #tpu.memory_space<vmem>>
    %dma_wait3A_510 = tpu.memref_squeeze %dma_wait3A_509 : memref<1x128x32xf32, #tpu.memory_space<vmem>> -> memref<128x32xf32, #tpu.memory_space<vmem>>
    %dma_wait3A_511 = arith.constant 0 : i32
    %dma_wait3A_512 = tpu.memref_slice %arg5[%add3A_218, %dma_wait3A_511] : memref<204800x64xf32, #tpu.memory_space<hbm>> -> memref<128x64xf32, #tpu.memory_space<hbm>>
    %dma_wait3A_513 = arith.constant 0 : i32
    %dma_wait3A_514 = arith.constant 32 : i32
    %dma_wait3A_515 = tpu.memref_slice %dma_wait3A_512[%dma_wait3A_513, %dma_wait3A_514] : memref<128x64xf32, #tpu.memory_space<hbm>> -> memref<128x32xf32, #tpu.memory_space<hbm>>
    %dma_wait3A_516 = arith.constant 0 : i32
    %dma_wait3A_517 = tpu.memref_slice %arg5[%add3A_218, %dma_wait3A_516] : memref<204800x64xf32, #tpu.memory_space<hbm>> -> memref<128x64xf32, #tpu.memory_space<hbm>>
    %dma_wait3A_518 = arith.constant 0 : i32
    %dma_wait3A_519 = arith.constant 32 : i32
    %dma_wait3A_520 = tpu.memref_slice %dma_wait3A_517[%dma_wait3A_518, %dma_wait3A_519] : memref<128x64xf32, #tpu.memory_space<hbm>> -> memref<128x32xf32, #tpu.memory_space<hbm>>
    %dma_wait3A_521 = arith.constant 0 : i32
    %dma_wait3A_522 = arith.constant 0 : i32
    %dma_wait3A_523 = tpu.memref_slice %arg8[%dma_wait3A_506, %dma_wait3A_521, %dma_wait3A_522] : memref<5x128x32xf32, #tpu.memory_space<vmem>> -> memref<1x128x32xf32, #tpu.memory_space<vmem>>
    %dma_wait3A_524 = tpu.memref_squeeze %dma_wait3A_523 : memref<1x128x32xf32, #tpu.memory_space<vmem>> -> memref<128x32xf32, #tpu.memory_space<vmem>>
    tpu.wait_dma2 semaphore(%arg15 : memref<!tpu.dma_semaphore, #tpu.memory_space<semaphore_mem>>) src(%dma_wait3A_524 : memref<128x32xf32, #tpu.memory_space<vmem>>) dst(%dma_wait3A_520 : memref<128x32xf32, #tpu.memory_space<hbm>>)
    %dma_wait3A_525 = arith.constant 2 : i32
    %dma_wait3A_526 = arith.constant 0 : i32
    %dma_wait3A_527 = arith.constant 0 : i32
    %dma_wait3A_528 = tpu.memref_slice %arg7[%dma_wait3A_525, %dma_wait3A_526, %dma_wait3A_527] : memref<5x128x32xf32, #tpu.memory_space<vmem>> -> memref<1x128x32xf32, #tpu.memory_space<vmem>>
    %dma_wait3A_529 = tpu.memref_squeeze %dma_wait3A_528 : memref<1x128x32xf32, #tpu.memory_space<vmem>> -> memref<128x32xf32, #tpu.memory_space<vmem>>
    %dma_wait3A_530 = arith.constant 0 : i32
    %dma_wait3A_531 = tpu.memref_slice %arg5[%add3A_282, %dma_wait3A_530] : memref<204800x64xf32, #tpu.memory_space<hbm>> -> memref<128x64xf32, #tpu.memory_space<hbm>>
    %dma_wait3A_532 = arith.constant 0 : i32
    %dma_wait3A_533 = arith.constant 0 : i32
    %dma_wait3A_534 = tpu.memref_slice %dma_wait3A_531[%dma_wait3A_532, %dma_wait3A_533] : memref<128x64xf32, #tpu.memory_space<hbm>> -> memref<128x32xf32, #tpu.memory_space<hbm>>
    %dma_wait3A_535 = arith.constant 0 : i32
    %dma_wait3A_536 = tpu.memref_slice %arg5[%add3A_282, %dma_wait3A_535] : memref<204800x64xf32, #tpu.memory_space<hbm>> -> memref<128x64xf32, #tpu.memory_space<hbm>>
    %dma_wait3A_537 = arith.constant 0 : i32
    %dma_wait3A_538 = arith.constant 0 : i32
    %dma_wait3A_539 = tpu.memref_slice %dma_wait3A_536[%dma_wait3A_537, %dma_wait3A_538] : memref<128x64xf32, #tpu.memory_space<hbm>> -> memref<128x32xf32, #tpu.memory_space<hbm>>
    %dma_wait3A_540 = arith.constant 0 : i32
    %dma_wait3A_541 = arith.constant 0 : i32
    %dma_wait3A_542 = tpu.memref_slice %arg7[%dma_wait3A_525, %dma_wait3A_540, %dma_wait3A_541] : memref<5x128x32xf32, #tpu.memory_space<vmem>> -> memref<1x128x32xf32, #tpu.memory_space<vmem>>
    %dma_wait3A_543 = tpu.memref_squeeze %dma_wait3A_542 : memref<1x128x32xf32, #tpu.memory_space<vmem>> -> memref<128x32xf32, #tpu.memory_space<vmem>>
    tpu.wait_dma2 semaphore(%arg16 : memref<!tpu.dma_semaphore, #tpu.memory_space<semaphore_mem>>) src(%dma_wait3A_543 : memref<128x32xf32, #tpu.memory_space<vmem>>) dst(%dma_wait3A_539 : memref<128x32xf32, #tpu.memory_space<hbm>>)
    %dma_wait3A_544 = arith.constant 2 : i32
    %dma_wait3A_545 = arith.constant 0 : i32
    %dma_wait3A_546 = arith.constant 0 : i32
    %dma_wait3A_547 = tpu.memref_slice %arg8[%dma_wait3A_544, %dma_wait3A_545, %dma_wait3A_546] : memref<5x128x32xf32, #tpu.memory_space<vmem>> -> memref<1x128x32xf32, #tpu.memory_space<vmem>>
    %dma_wait3A_548 = tpu.memref_squeeze %dma_wait3A_547 : memref<1x128x32xf32, #tpu.memory_space<vmem>> -> memref<128x32xf32, #tpu.memory_space<vmem>>
    %dma_wait3A_549 = arith.constant 0 : i32
    %dma_wait3A_550 = tpu.memref_slice %arg5[%add3A_282, %dma_wait3A_549] : memref<204800x64xf32, #tpu.memory_space<hbm>> -> memref<128x64xf32, #tpu.memory_space<hbm>>
    %dma_wait3A_551 = arith.constant 0 : i32
    %dma_wait3A_552 = arith.constant 32 : i32
    %dma_wait3A_553 = tpu.memref_slice %dma_wait3A_550[%dma_wait3A_551, %dma_wait3A_552] : memref<128x64xf32, #tpu.memory_space<hbm>> -> memref<128x32xf32, #tpu.memory_space<hbm>>
    %dma_wait3A_554 = arith.constant 0 : i32
    %dma_wait3A_555 = tpu.memref_slice %arg5[%add3A_282, %dma_wait3A_554] : memref<204800x64xf32, #tpu.memory_space<hbm>> -> memref<128x64xf32, #tpu.memory_space<hbm>>
    %dma_wait3A_556 = arith.constant 0 : i32
    %dma_wait3A_557 = arith.constant 32 : i32
    %dma_wait3A_558 = tpu.memref_slice %dma_wait3A_555[%dma_wait3A_556, %dma_wait3A_557] : memref<128x64xf32, #tpu.memory_space<hbm>> -> memref<128x32xf32, #tpu.memory_space<hbm>>
    %dma_wait3A_559 = arith.constant 0 : i32
    %dma_wait3A_560 = arith.constant 0 : i32
    %dma_wait3A_561 = tpu.memref_slice %arg8[%dma_wait3A_544, %dma_wait3A_559, %dma_wait3A_560] : memref<5x128x32xf32, #tpu.memory_space<vmem>> -> memref<1x128x32xf32, #tpu.memory_space<vmem>>
    %dma_wait3A_562 = tpu.memref_squeeze %dma_wait3A_561 : memref<1x128x32xf32, #tpu.memory_space<vmem>> -> memref<128x32xf32, #tpu.memory_space<vmem>>
    tpu.wait_dma2 semaphore(%arg16 : memref<!tpu.dma_semaphore, #tpu.memory_space<semaphore_mem>>) src(%dma_wait3A_562 : memref<128x32xf32, #tpu.memory_space<vmem>>) dst(%dma_wait3A_558 : memref<128x32xf32, #tpu.memory_space<hbm>>)
    %dma_wait3A_563 = arith.constant 3 : i32
    %dma_wait3A_564 = arith.constant 0 : i32
    %dma_wait3A_565 = arith.constant 0 : i32
    %dma_wait3A_566 = tpu.memref_slice %arg7[%dma_wait3A_563, %dma_wait3A_564, %dma_wait3A_565] : memref<5x128x32xf32, #tpu.memory_space<vmem>> -> memref<1x128x32xf32, #tpu.memory_space<vmem>>
    %dma_wait3A_567 = tpu.memref_squeeze %dma_wait3A_566 : memref<1x128x32xf32, #tpu.memory_space<vmem>> -> memref<128x32xf32, #tpu.memory_space<vmem>>
    %dma_wait3A_568 = arith.constant 0 : i32
    %dma_wait3A_569 = tpu.memref_slice %arg5[%add3A_346, %dma_wait3A_568] : memref<204800x64xf32, #tpu.memory_space<hbm>> -> memref<128x64xf32, #tpu.memory_space<hbm>>
    %dma_wait3A_570 = arith.constant 0 : i32
    %dma_wait3A_571 = arith.constant 0 : i32
    %dma_wait3A_572 = tpu.memref_slice %dma_wait3A_569[%dma_wait3A_570, %dma_wait3A_571] : memref<128x64xf32, #tpu.memory_space<hbm>> -> memref<128x32xf32, #tpu.memory_space<hbm>>
    %dma_wait3A_573 = arith.constant 0 : i32
    %dma_wait3A_574 = tpu.memref_slice %arg5[%add3A_346, %dma_wait3A_573] : memref<204800x64xf32, #tpu.memory_space<hbm>> -> memref<128x64xf32, #tpu.memory_space<hbm>>
    %dma_wait3A_575 = arith.constant 0 : i32
    %dma_wait3A_576 = arith.constant 0 : i32
    %dma_wait3A_577 = tpu.memref_slice %dma_wait3A_574[%dma_wait3A_575, %dma_wait3A_576] : memref<128x64xf32, #tpu.memory_space<hbm>> -> memref<128x32xf32, #tpu.memory_space<hbm>>
    %dma_wait3A_578 = arith.constant 0 : i32
    %dma_wait3A_579 = arith.constant 0 : i32
    %dma_wait3A_580 = tpu.memref_slice %arg7[%dma_wait3A_563, %dma_wait3A_578, %dma_wait3A_579] : memref<5x128x32xf32, #tpu.memory_space<vmem>> -> memref<1x128x32xf32, #tpu.memory_space<vmem>>
    %dma_wait3A_581 = tpu.memref_squeeze %dma_wait3A_580 : memref<1x128x32xf32, #tpu.memory_space<vmem>> -> memref<128x32xf32, #tpu.memory_space<vmem>>
    tpu.wait_dma2 semaphore(%arg17 : memref<!tpu.dma_semaphore, #tpu.memory_space<semaphore_mem>>) src(%dma_wait3A_581 : memref<128x32xf32, #tpu.memory_space<vmem>>) dst(%dma_wait3A_577 : memref<128x32xf32, #tpu.memory_space<hbm>>)
    %dma_wait3A_582 = arith.constant 3 : i32
    %dma_wait3A_583 = arith.constant 0 : i32
    %dma_wait3A_584 = arith.constant 0 : i32
    %dma_wait3A_585 = tpu.memref_slice %arg8[%dma_wait3A_582, %dma_wait3A_583, %dma_wait3A_584] : memref<5x128x32xf32, #tpu.memory_space<vmem>> -> memref<1x128x32xf32, #tpu.memory_space<vmem>>
    %dma_wait3A_586 = tpu.memref_squeeze %dma_wait3A_585 : memref<1x128x32xf32, #tpu.memory_space<vmem>> -> memref<128x32xf32, #tpu.memory_space<vmem>>
    %dma_wait3A_587 = arith.constant 0 : i32
    %dma_wait3A_588 = tpu.memref_slice %arg5[%add3A_346, %dma_wait3A_587] : memref<204800x64xf32, #tpu.memory_space<hbm>> -> memref<128x64xf32, #tpu.memory_space<hbm>>
    %dma_wait3A_589 = arith.constant 0 : i32
    %dma_wait3A_590 = arith.constant 32 : i32
    %dma_wait3A_591 = tpu.memref_slice %dma_wait3A_588[%dma_wait3A_589, %dma_wait3A_590] : memref<128x64xf32, #tpu.memory_space<hbm>> -> memref<128x32xf32, #tpu.memory_space<hbm>>
    %dma_wait3A_592 = arith.constant 0 : i32
    %dma_wait3A_593 = tpu.memref_slice %arg5[%add3A_346, %dma_wait3A_592] : memref<204800x64xf32, #tpu.memory_space<hbm>> -> memref<128x64xf32, #tpu.memory_space<hbm>>
    %dma_wait3A_594 = arith.constant 0 : i32
    %dma_wait3A_595 = arith.constant 32 : i32
    %dma_wait3A_596 = tpu.memref_slice %dma_wait3A_593[%dma_wait3A_594, %dma_wait3A_595] : memref<128x64xf32, #tpu.memory_space<hbm>> -> memref<128x32xf32, #tpu.memory_space<hbm>>
    %dma_wait3A_597 = arith.constant 0 : i32
    %dma_wait3A_598 = arith.constant 0 : i32
    %dma_wait3A_599 = tpu.memref_slice %arg8[%dma_wait3A_582, %dma_wait3A_597, %dma_wait3A_598] : memref<5x128x32xf32, #tpu.memory_space<vmem>> -> memref<1x128x32xf32, #tpu.memory_space<vmem>>
    %dma_wait3A_600 = tpu.memref_squeeze %dma_wait3A_599 : memref<1x128x32xf32, #tpu.memory_space<vmem>> -> memref<128x32xf32, #tpu.memory_space<vmem>>
    tpu.wait_dma2 semaphore(%arg17 : memref<!tpu.dma_semaphore, #tpu.memory_space<semaphore_mem>>) src(%dma_wait3A_600 : memref<128x32xf32, #tpu.memory_space<vmem>>) dst(%dma_wait3A_596 : memref<128x32xf32, #tpu.memory_space<hbm>>)
    %dma_wait3A_601 = arith.constant 4 : i32
    %dma_wait3A_602 = arith.constant 0 : i32
    %dma_wait3A_603 = arith.constant 0 : i32
    %dma_wait3A_604 = tpu.memref_slice %arg7[%dma_wait3A_601, %dma_wait3A_602, %dma_wait3A_603] : memref<5x128x32xf32, #tpu.memory_space<vmem>> -> memref<1x128x32xf32, #tpu.memory_space<vmem>>
    %dma_wait3A_605 = tpu.memref_squeeze %dma_wait3A_604 : memref<1x128x32xf32, #tpu.memory_space<vmem>> -> memref<128x32xf32, #tpu.memory_space<vmem>>
    %dma_wait3A_606 = arith.constant 0 : i32
    %dma_wait3A_607 = tpu.memref_slice %arg5[%add3A_410, %dma_wait3A_606] : memref<204800x64xf32, #tpu.memory_space<hbm>> -> memref<128x64xf32, #tpu.memory_space<hbm>>
    %dma_wait3A_608 = arith.constant 0 : i32
    %dma_wait3A_609 = arith.constant 0 : i32
    %dma_wait3A_610 = tpu.memref_slice %dma_wait3A_607[%dma_wait3A_608, %dma_wait3A_609] : memref<128x64xf32, #tpu.memory_space<hbm>> -> memref<128x32xf32, #tpu.memory_space<hbm>>
    %dma_wait3A_611 = arith.constant 0 : i32
    %dma_wait3A_612 = tpu.memref_slice %arg5[%add3A_410, %dma_wait3A_611] : memref<204800x64xf32, #tpu.memory_space<hbm>> -> memref<128x64xf32, #tpu.memory_space<hbm>>
    %dma_wait3A_613 = arith.constant 0 : i32
    %dma_wait3A_614 = arith.constant 0 : i32
    %dma_wait3A_615 = tpu.memref_slice %dma_wait3A_612[%dma_wait3A_613, %dma_wait3A_614] : memref<128x64xf32, #tpu.memory_space<hbm>> -> memref<128x32xf32, #tpu.memory_space<hbm>>
    %dma_wait3A_616 = arith.constant 0 : i32
    %dma_wait3A_617 = arith.constant 0 : i32
    %dma_wait3A_618 = tpu.memref_slice %arg7[%dma_wait3A_601, %dma_wait3A_616, %dma_wait3A_617] : memref<5x128x32xf32, #tpu.memory_space<vmem>> -> memref<1x128x32xf32, #tpu.memory_space<vmem>>
    %dma_wait3A_619 = tpu.memref_squeeze %dma_wait3A_618 : memref<1x128x32xf32, #tpu.memory_space<vmem>> -> memref<128x32xf32, #tpu.memory_space<vmem>>
    tpu.wait_dma2 semaphore(%arg18 : memref<!tpu.dma_semaphore, #tpu.memory_space<semaphore_mem>>) src(%dma_wait3A_619 : memref<128x32xf32, #tpu.memory_space<vmem>>) dst(%dma_wait3A_615 : memref<128x32xf32, #tpu.memory_space<hbm>>)
    %dma_wait3A_620 = arith.constant 4 : i32
    %dma_wait3A_621 = arith.constant 0 : i32
    %dma_wait3A_622 = arith.constant 0 : i32
    %dma_wait3A_623 = tpu.memref_slice %arg8[%dma_wait3A_620, %dma_wait3A_621, %dma_wait3A_622] : memref<5x128x32xf32, #tpu.memory_space<vmem>> -> memref<1x128x32xf32, #tpu.memory_space<vmem>>
    %dma_wait3A_624 = tpu.memref_squeeze %dma_wait3A_623 : memref<1x128x32xf32, #tpu.memory_space<vmem>> -> memref<128x32xf32, #tpu.memory_space<vmem>>
    %dma_wait3A_625 = arith.constant 0 : i32
    %dma_wait3A_626 = tpu.memref_slice %arg5[%add3A_410, %dma_wait3A_625] : memref<204800x64xf32, #tpu.memory_space<hbm>> -> memref<128x64xf32, #tpu.memory_space<hbm>>
    %dma_wait3A_627 = arith.constant 0 : i32
    %dma_wait3A_628 = arith.constant 32 : i32
    %dma_wait3A_629 = tpu.memref_slice %dma_wait3A_626[%dma_wait3A_627, %dma_wait3A_628] : memref<128x64xf32, #tpu.memory_space<hbm>> -> memref<128x32xf32, #tpu.memory_space<hbm>>
    %dma_wait3A_630 = arith.constant 0 : i32
    %dma_wait3A_631 = tpu.memref_slice %arg5[%add3A_410, %dma_wait3A_630] : memref<204800x64xf32, #tpu.memory_space<hbm>> -> memref<128x64xf32, #tpu.memory_space<hbm>>
    %dma_wait3A_632 = arith.constant 0 : i32
    %dma_wait3A_633 = arith.constant 32 : i32
    %dma_wait3A_634 = tpu.memref_slice %dma_wait3A_631[%dma_wait3A_632, %dma_wait3A_633] : memref<128x64xf32, #tpu.memory_space<hbm>> -> memref<128x32xf32, #tpu.memory_space<hbm>>
    %dma_wait3A_635 = arith.constant 0 : i32
    %dma_wait3A_636 = arith.constant 0 : i32
    %dma_wait3A_637 = tpu.memref_slice %arg8[%dma_wait3A_620, %dma_wait3A_635, %dma_wait3A_636] : memref<5x128x32xf32, #tpu.memory_space<vmem>> -> memref<1x128x32xf32, #tpu.memory_space<vmem>>
    %dma_wait3A_638 = tpu.memref_squeeze %dma_wait3A_637 : memref<1x128x32xf32, #tpu.memory_space<vmem>> -> memref<128x32xf32, #tpu.memory_space<vmem>>
    tpu.wait_dma2 semaphore(%arg18 : memref<!tpu.dma_semaphore, #tpu.memory_space<semaphore_mem>>) src(%dma_wait3A_638 : memref<128x32xf32, #tpu.memory_space<vmem>>) dst(%dma_wait3A_634 : memref<128x32xf32, #tpu.memory_space<hbm>>)
    return
  }
}

</mosaic_0001>

<sc_bundles>
// kernel: _embed_call.3.cloned.1.call-start
scs
__scs_entry_jumppad:
0x0: {  	(pc) =	sbr.rel $0x88, $3  }
0x1: {  	(tag) =	ssettag $0x0;
	lr =	simm.s32 $0x1  }
0x2: {  	[smem:$0x3F9E] =	sst lr;
	_ =	strace $0xD0000000  }
0x3: {  	_ = 	snop  }
0x4: {  	_ = 	snop  }
0x5: {  	_ = 	snop  }
0x6: {  	_ = 	snop  }
0x7: {  	_ = 	snop  }
__scs_overlays_trampoline_lowered:
0x8: {  	[smem:$0x3FAD] =	sst s0  }
0x9: {  	[smem:$0x3FAE] =	sst s1  }
0xa: {  	[smem:$0x3FAF] =	sst s2  }
0xb: {  	[smem:$0x3FB0] =	sst s3  }
0xc: {  	[smem:$0x3FB1] =	sst s4  }
0xd: {  	[smem:$0x3FB2] =	sst s5  }
0xe: {  	[smem:$0x3FB3] =	sst s6  }
0xf: {  	[smem:$0x3FB4] =	sst s7  }
0x10: {  	[smem:$0x3FB5] =	sst s8  }
0x11: {  	[smem:$0x3FB6] =	sst s9;
	s0 =	simm.s32 @!p0 $0x0  }
0x12: {  	s1 =	sld [smem:$0x3F9C];
	s0 =	simm.s32 @p0 $0x1  }
0x13: {  	[smem:$0x3FB7] =	sst s0;
	s0 =	simm.s32 @!p1 $0x0  }
0x14: {  	s2 =	sld [smem:$0x3F9B];
	s0 =	simm.s32 @p1 $0x1  }
0x15: {  	[smem:$0x3FB8] =	sst s0;
	s0 =	simm.s32 @!p2 $0x0  }
0x16: {  	s3 =	sld [smem:$0x3FDB];
	s0 =	simm.s32 @p2 $0x1  }
0x17: {  	s4 =	simm.s32 $0x1BF5;
	[smem:$0x3FBA] =	sst s0  }
0x18: {  	s0 =	sld [smem:$0x3F9D];
	_ =	swait.ge [sflag:s4], $0x0  }
0x19: {  	s7 =	sld [smem:$0x3F9E]  }
0x1a: {  	s8 =	sadd.s32 $0xFFFFE003, lr  }
0x1b: {  	s9 =	sadd.s32 $0xFFFFFEF7, lr;
	s5 =	simm.s32 $0xFFFFFFFF;
	p2 =	slt.u32 s8, $0xFFFFF086  }
0x1c: {  	p1 =	slt.u32 s9, $0xF7A;
	s5 =	simm.s32 @!p2 $0x0  }
0x1d: {  	s5 =	simm.s32 @p1 $0x1;
	p0 =	seq.s32 s7, s2  }
0x1e: {  	s7 =	smul.u32 @!p0 $0xF7A, s2;
	p2 =	seq.s32 @!p0 s5, $0x0  }
0x1f: {  	s9 =	smul.u32 $0xF7A, s1;
	s8 =	simm.s32 @!p0 $0x1BF5;
	p2 =	por !p2, p0  }
0x20: {  	[sflag:s8] =	ssyncset.s32 @!p0 $0xFFFFF086;
	s6 =	sadd.s32 @!p0 s3, s7;
	s7 =	simm.s32 @!p0 $0x108  }
0x21: {  	s3 =	sadd.s32 s3, s9;
	s6 =	sadd.s32 @!p0 $0x88, s6;
	s7 =	simm.s32 @p2 $0x1082  }
0x22: {  	[simem:s7], [sflag:s8] =	dma.local @!p0 [hbm:s6], $0xF7A  }
0x23: {  	s9 =	sor.u32 $0xD0000000, s2;
	s6 =	simm.s32 $0x108;
	_ =	swait.ge @!p0 [sflag:s8], $0x0  }
0x24: {  	s3 =	sadd.s32 $0x88, s3;
	s6 =	simm.s32 @!p1 $0x1082;
	[sflag:s4] =	ssyncset.s32 $0xFFFFF086  }
0x25: {  	[simem:s6], [sflag:s4] =	dma.local [hbm:s3], $0xF7A  }
0x26: {  	[smem:$0x3F9E] =	sst s1;
	(tag) =	ssettag s2;
	_ =	strace s9  }
0x27: {  	s1 =	sld [smem:$0x3FAE]  }
0x28: {  	s2 =	sld [smem:$0x3FAF]  }
0x29: {  	s4 =	sld [smem:$0x3FB1]  }
0x2a: {  	p0 =	seq.s32 s5, $0x0;
	s5 =	sld [smem:$0x3FB2]  }
0x2b: {  	s6 =	sld [smem:$0x3FB3]  }
0x2c: {  	s7 =	sld [smem:$0x3FB4]  }
0x2d: {  	s3 =	simm.s32 $0x108;
	s8 =	sld [smem:$0x3FB5]  }
0x2e: {  	s3 =	simm.s32 @!p0 $0x1082;
	s9 =	sld [smem:$0x3FB6]  }
0x2f: {  	lr =	sadd.s32 s0, s3;
	s0 =	sld [smem:$0x3FAD]  }
0x30: {  	s3 =	sld [smem:$0x3FB0]  }
0x31: {  	[smem:$0x3FB9] =	sst s10  }
0x32: {  	s10 =	sld [smem:$0x3FB7];
	_ =	sdelay $0x3  }
0x33: {  	p0 =	seq.s32 s10, $0x1;
	s10 =	sld [smem:$0x3FB9];
	_ =	sdelay $0x3  }
0x34: {  	[smem:$0x3FB9] =	sst s10  }
0x35: {  	s10 =	sld [smem:$0x3FB8];
	_ =	sdelay $0x3  }
0x36: {  	p1 =	seq.s32 s10, $0x1;
	s10 =	sld [smem:$0x3FB9];
	_ =	sdelay $0x3  }
0x37: {  	[smem:$0x3FB9] =	sst s10  }
0x38: {  	s10 =	sld [smem:$0x3FBA]  }
0x39: {  	_ = 	snop;
	(pc) =	sbr.ind lr, $3  }
0x3a: {  	_ = 	snop  }
0x3b: {  	_ = 	snop  }
0x3c: {  	p2 =	seq.s32 s10, $0x1;
	s10 =	sld [smem:$0x3FB9]  }
0x3d: {  	_ =	shalt  }
0x3e: {  	_ =	shalt  }
0x3f: {  	_ =	shalt  }
0x40: {  	_ =	shalt  }
0x41: {  	_ =	shalt  }
0x42: {  	_ =	shalt  }
0x43: {  	_ =	shalt  }
0x44: {  	_ =	shalt  }
0x45: {  	_ =	shalt  }
0x46: {  	_ =	shalt  }
0x47: {  	_ =	shalt  }
0x48: {  	_ =	shalt  }
0x49: {  	_ =	shalt  }
0x4a: {  	_ =	shalt  }
0x4b: {  	_ =	shalt  }
0x4c: {  	_ =	shalt  }
0x4d: {  	_ =	shalt  }
0x4e: {  	_ =	shalt  }
0x4f: {  	_ =	shalt  }
0x50: {  	_ =	shalt  }
0x51: {  	_ =	shalt  }
0x52: {  	_ =	shalt  }
0x53: {  	_ =	shalt  }
0x54: {  	_ =	shalt  }
0x55: {  	_ =	shalt  }
0x56: {  	_ =	shalt  }
0x57: {  	_ =	shalt  }
0x58: {  	_ =	shalt  }
0x59: {  	_ =	shalt  }
0x5a: {  	_ =	shalt  }
0x5b: {  	_ =	shalt  }
0x5c: {  	_ =	shalt  }
0x5d: {  	_ =	shalt  }
0x5e: {  	_ =	shalt  }
0x5f: {  	_ =	shalt  }
0x60: {  	_ =	shalt  }
0x61: {  	_ =	shalt  }
0x62: {  	_ =	shalt  }
0x63: {  	_ =	shalt  }
0x64: {  	_ =	shalt  }
0x65: {  	_ =	shalt  }
0x66: {  	_ =	shalt  }
0x67: {  	_ =	shalt  }
0x68: {  	_ =	shalt  }
0x69: {  	_ =	shalt  }
0x6a: {  	_ =	shalt  }
0x6b: {  	_ =	shalt  }
0x6c: {  	_ =	shalt  }
0x6d: {  	_ =	shalt  }
0x6e: {  	_ =	shalt  }
0x6f: {  	_ =	shalt  }
0x70: {  	_ =	shalt  }
0x71: {  	_ =	shalt  }
0x72: {  	_ =	shalt  }
0x73: {  	_ =	shalt  }
0x74: {  	_ =	shalt  }
0x75: {  	_ =	shalt  }
0x76: {  	_ =	shalt  }
0x77: {  	_ =	shalt  }
0x78: {  	_ =	shalt  }
0x79: {  	_ =	shalt  }
0x7a: {  	_ =	shalt  }
0x7b: {  	_ =	shalt  }
0x7c: {  	_ =	shalt  }
0x7d: {  	_ =	shalt  }
0x7e: {  	_ =	shalt  }
0x7f: {  	_ =	shalt  }
0x80: {  	_ =	shalt  }
0x81: {  	_ =	shalt  }
0x82: {  	_ =	shalt  }
0x83: {  	_ =	shalt  }
0x84: {  	_ =	shalt  }
0x85: {  	_ =	shalt  }
0x86: {  	_ =	shalt  }
0x87: {  	_ =	shalt  }
.Lfunc_end0:
.L_simem_size_0:
called_computation.1_lowered:
.L_overlay_start_0:
0x88: {  	s2 =	sld [smem:$0x3FD9]  }
0x89: {  	s3 =	sld [smem:$0x3FFE];
	_ =	sdelay $0x1  }
0x8a: {  	s1 =	srdreg.scid  }
0x8b: {  	s0 =	sand.u32 $0x1, s1  }
0x8c: {  	s17 =	sshll.u32 s0, $0xA;
	s2 =	sadd.s32 s3, s2  }
0x8d: {  	s2 =	sadd.s32 s2, s17  }
0x8e: {  	[smem:$0x3FC5] =	sst s2  }
0x8f: {  	_ = 	snop  }
0x90: {  	s2 =	sld [smem:$0x3FD0];
	(tm) =	ssettm $0x1  }
0x91: {  	s18 =	sld [smem:$0x3FFB];
	_ =	sdelay $0x3  }
0x92: {  	_ =	strace s18  }
0x93: {  	s3 =	sld [smem:$0x3FFC];
	_ =	sdelay $0x3  }
0x94: {  	_ =	strace s3  }
0x95: {  	s3 =	sld [smem:$0x3FFD];
	_ =	sdelay $0x3  }
0x96: {  	_ =	strace s3  }
0x97: {  	_ =	strace $0x8FFFFFFF  }
0x98: {  	s19 =	sld [smem:$0x3FDB];
	_ =	sdelay $0x1  }
0x99: {  	s4 =	simm.s32 $_scs_section_size  }
0x9a: {  	s5 =	simm.s32 $_size__tile_overlayer_lowered;
	s6 =	simm.s32 $_tile_overlayer_lowered  }
0x9b: {  	s22 =	simm.s32 $0x1BFF;
	s21 =	sshll.u32 s6, $0x1;
	s3 =	sadd.s32 s4, s19  }
0x9c: {  	s7 =	simm.s32 $0x0;
	s20 =	sshll.u32 s5, $0x1;
	s5 =	sadd.s32 s21, s3  }
0x9d: {  	[timem:s7], [sflag:s22] =	dma.local [hbm:s5], s20  }
0x9e: {  	_ =	swait.ge [sflag:s22], s20  }
0x9f: {  	s4 =	ssub.s32 $0x0, s20;
	[sflag:s22] =	ssyncset.done $0x0  }
0xa0: {  	[sflag:s22] =	ssyncadd.s32 s4;
	_ =	sdelay $0x1  }
0xa1: {  	s23 =	simm.s32 $0x1B8B  }
0xa2: {  	_ =	swait.ge [sflag:s23], $0x1  }
0xa3: {  	[sflag:s23] =	ssyncset.done $0x0  }
0xa4: {  	s25 =	simm.s32 $0x1B8E;
	s24 =	sld [smem:$0x3FFE];
	[sflag:s23] =	ssyncadd.s32 $0xFFFFFFFF  }
0xa5: {  	s26 =	simm.s32 $execute0_lowered;
	[smem:$0x3FD2] =	sst s25  }
0xa6: {  	s5 =	sshll.u32 s26, $0x1;
	_ =	strace $0x80000046;
	[dreg:$0x1] =	wrdreg $0xFFFFFFFF  }
0xa7: {  	s28 =	simm.s32 $_size_execute0_lowered;
	s3 =	sadd.s32 s3, s5;
	[dreg:$0x0] =	wrdreg $0x0  }
0xa8: {  	s5 =	sshll.u32 s28, $0x1;
	[dreg:$0x2] =	wrdreg s3  }
0xa9: {  	[dreg:$0x3] =	wrdreg s5  }
0xaa: {  	[dreg:$0x4] =	wrdreg $0xC0  }
0xab: {  	_ =	task [dreg:s7], $0x5FFFF  }
0xac: {  	[dreg:$0x1] =	wrdreg $0xFFFFFFFF  }
0xad: {  	[dreg:$0x0] =	wrdreg $0x60  }
0xae: {  	[dreg:$0x2] =	wrdreg s24  }
0xaf: {  	[dreg:$0x3] =	wrdreg s2  }
0xb0: {  	[dreg:$0x4] =	wrdreg $0x9  }
0xb1: {  	_ =	task.clear_ibuf [dreg:s7], $0x5FFFF;
	_ =	strace $0x90000046  }
0xb2: {  	s29 =	simm.s32 $0x9;
	_ =	strace $0x80000048  }
0xb3: {  	_ =	swait.ge [sflag:s29], $0x1  }
0xb4: {  	[sflag:s29] =	ssyncadd.s32 $0xFFFFFFFF  }
0xb5: {  	_ =	strace $0x90000048  }
0xb6: {  	_ =	sfence  }
0xb7: {  	s30 =	sld [smem:$0x0];
	_ =	sdelay $0x2  }
0xb8: {  	s31 =	sshll.u32 s1, $0xD;
	s1 =	sshrl.u32 s1, $0x2  }
0xb9: {  	s3 =	sand.u32 $0x4000, s31;
	s1 =	sadd.s32 s1, s30  }
0xba: {  	s0 =	sor.u32 s3, s0;
	s1 =	sshll.u32 s1, $0x11  }
0xbb: {  	s0 =	sor.u32 s1, s0  }
0xbc: {  	s0 =	sadd.s32 $0x8F2B, s0  }
0xbd: {  	[sflag:s0] =	ssyncadd.remote.s32 $0x1  }
0xbe: {  	_ =	sfence.sel $0xFFFF  }
0xbf: {  	[dreg:$0x0] =	wrdreg $0xFFFFFFFF;
	(pc) =	sbr.abs _section_cstart, $3  }
0xc0: {  	[dreg:$0x1] =	wrdreg $0xFFFFFFFF  }
0xc1: {  	_ =	task.clear_ibuf [dreg:s7], $0x2FFFF;
	_ =	strace $0x9FFFFFFF  }
0xc2: {  	(tm) =	ssettm $0x7FFFFFFF  }
0xc3: {  	_ =	shalt  }
tec
execute0_lowered:
.L_overlay_start_1:
0x0: {  	(tag) =	ssettag $0x1  }
0x1: {  	s0 =	srdreg.scid;
	s1 =	rddreg [dreg:$0x0]  }
0x2: {  	s10 =	stileid.u32;
	s5 =	rddreg [dreg:$0x1];
	s4 =	simm.s32 $0x0  }
0x3: {  	s11 =	simm.s32 $0x40;
	s30 =	simm.s32 $0x4;
	s7 =	smul.u32 $0x3200, s10  }
0x4: {  	s0 =	sand.u32 $0x1, s0;
	s2 =	sshll.u32 s10, $0x1;
	s25 =	smul.u32 $0x19000, s10  }
0x5: {  	[smem:$0x7FF] =	sst s4;
	s4 =	sadd.s32 $0xF42E00, s1;
	s9 =	smul.u32 $0x1900, s0  }
0x6: {  	s2 =	sor.u32 s0, s2;
	s18 =	ssub.s32 $0x2, s0;
	s0 =	smul.u32 $0xC800, s0  }
0x7: {  	s17 =	simm.s32 $0x6;
	_ =	strace $0x80000047;
	s3 =	smul.u32 $0x1900, s2  }
0x8: {  	s2 =	smul.u32 $0x64000, s2;
	s8 =	sshrl.u32 s18, $0x1;
	s31 =	sadd.s32 s25, s5  }
0x9: {  	s21 =	sadd.s32 s9, s7;
	s0 =	sadd.s32 s0, s31;
	s3 =	sshrl.u32 s3, $0x3  }
0xa: {  	s7 =	simm.s32 $0x8;
	s2 =	sshrl.u32 s2, $0x3;
	s6 =	sadd.s32 s3, s1  }
0xb: {  	[dreg:$0xe] =	wrdreg s0;
	s2 =	sadd.s32 s5, s2;
	s6 =	sadd.s32 $0xA00, s6  }
0xc: {  	s9 =	simm.s32 $0xA;
	s19 =	sadd.s32 $0xB400, s2;
	[dreg:$0x3] =	wrdreg s6  }
0xd: {  	s0 =	simm.s32 $0x0;
	s20 =	sadd.s32 $0xB800, s2;
	[dreg:$0x4] =	wrdreg s19  }
0xe: {  	s3 =	sadd.s32 $0x1313800, s1;
	s22 =	sadd.s32 $0xBC00, s2;
	[dreg:$0x5] =	wrdreg s20  }
0xf: {  	s1 =	ssub.s32 s18, s8;
	s23 =	sadd.s32 $0xC000, s2;
	[dreg:$0x6] =	wrdreg s22  }
0x10: {  	s2 =	sadd.s32 $0xC400, s2;
	[dreg:$0x7] =	wrdreg s23;
	s6 =	sshll.u32 s21, $0x3  }
0x11: {  	s1 =	smax.u32 s1, $0x1;
	[dreg:$0x8] =	wrdreg s2;
	s24 =	sadd.s32 s6, s5  }
0x12: {  	s18 =	simm.s32 $0x80;
	[dreg:$0x9] =	wrdreg s1;
	s26 =	sadd.s32 $0x1000, s24  }
0x13: {  	s8 =	simm.s32 $0x9;
	s28 =	sadd.s32 $0xC00, s24;
	[dreg:$0xa] =	wrdreg s26  }
0x14: {  	s5 =	simm.s32 $0x20;
	s29 =	sadd.s32 $0x800, s24;
	[dreg:$0xb] =	wrdreg s28  }
0x15: {  	s6 =	simm.s32 $0x7;
	s2 =	sadd.s32 $0x400, s24;
	[dreg:$0xc] =	wrdreg s29  }
0x16: {  	[dreg:$0xd] =	wrdreg s2;
	s26 =	simm.s32 $0x3;
	s2 =	simm.s32 $0x5  }
.LBB2_1:
0x17: {  	[dreg:$0xf] =	wrdreg s0  }
0x18: {  	s10 =	simm.s32 $0x0;
	s12 =	rddreg [dreg:$0x3];
	s0 =	simm.s32 $0xB  }
0x19: {  	[tilespmem:s10], [sflag:$0xB] =	stream.linear.gather [hbm4b:s12+s10], $0x1900, $0x38;
	[tilespmem:$0xB900] =	vst v63  }
0x1a: {  	_ =	swait.ge [sflag:s0], $0x1900  }
0x1b: {  	[sflag:s0] =	ssyncset.done $0x0  }
0x1c: {  	s12 =	simm.s32 $0x1900;
	[sflag:s0] =	ssyncadd.s32 $0xFFFFE700  }
0x1d: {  	[tilespmem:s12], [sflag:$0x1] =	stream.indirect.gather [hbm4b:s3+s18], $0x20, s10, s18, $0xb8;
	[tilespmem:$0xB900] =	vst v63  }
0x1e: {  	s19 =	simm.s32 $0x6900  }
0x1f: {  	[tilespmem:s19], [sflag:$0x1] =	stream.indirect.gather [hbm4b:s4+s18], $0x20, s10, s18, $0xb8;
	[tilespmem:$0xB900] =	vst v63  }
0x20: {  	s21 =	simm.s32 $0x2900  }
0x21: {  	[tilespmem:s21], [sflag:$0x2] =	stream.indirect.gather [hbm4b:s3+s18], $0x20, s18, s18, $0xb8;
	[tilespmem:$0xB900] =	vst v63  }
0x22: {  	s22 =	simm.s32 $0x7900  }
0x23: {  	[tilespmem:s22], [sflag:$0x2] =	stream.indirect.gather [hbm4b:s4+s18], $0x20, s18, s18, $0xb8;
	[tilespmem:$0xB900] =	vst v63  }
0x24: {  	s1 =	simm.s32 $0x100;
	s24 =	simm.s32 $0x3900  }
0x25: {  	[tilespmem:s24], [sflag:$0x3] =	stream.indirect.gather [hbm4b:s3+s18], $0x20, s1, s18, $0xb8;
	[tilespmem:$0xB900] =	vst v63  }
0x26: {  	s25 =	simm.s32 $0x8900  }
0x27: {  	[tilespmem:s25], [sflag:$0x3] =	stream.indirect.gather [hbm4b:s4+s18], $0x20, s1, s18, $0xb8;
	[tilespmem:$0xB900] =	vst v63  }
0x28: {  	s13 =	simm.s32 $0x180;
	s1 =	simm.s32 $0x4900  }
0x29: {  	[tilespmem:s1], [sflag:$0x4] =	stream.indirect.gather [hbm4b:s3+s18], $0x20, s13, s18, $0xb8;
	[tilespmem:$0xB900] =	vst v63  }
0x2a: {  	s0 =	simm.s32 $0x9900  }
0x2b: {  	[tilespmem:s0], [sflag:$0x4] =	stream.indirect.gather [hbm4b:s4+s18], $0x20, s13, s18, $0xb8;
	[tilespmem:$0xB900] =	vst v63  }
0x2c: {  	s14 =	simm.s32 $0x200;
	s23 =	simm.s32 $0x5900  }
0x2d: {  	[tilespmem:s23], [sflag:$0x5] =	stream.indirect.gather [hbm4b:s3+s18], $0x20, s14, s18, $0xb8;
	[tilespmem:$0xB900] =	vst v63  }
0x2e: {  	s28 =	simm.s32 $0xA900;
	s15 =	simm.s32 $0x1  }
0x2f: {  	[tilespmem:s28], [sflag:$0x5] =	stream.indirect.gather [hbm4b:s4+s18], $0x20, s14, s18, $0xb8;
	[tilespmem:$0xB900] =	vst v63  }
0x30: {  	_ =	swait.ge [sflag:s15], $0x1000  }
0x31: {  	[sflag:s15] =	ssyncset.done $0x0  }
0x32: {  	[sflag:s15] =	ssyncadd.s32 $0xFFFFF000  }
0x33: {  	_ =	swait.ge [sflag:s15], $0x1000  }
0x34: {  	[sflag:s15] =	ssyncset.done $0x0  }
0x35: {  	s13 =	rddreg [dreg:$0xe];
	[sflag:s15] =	ssyncadd.s32 $0xFFFFF000  }
0x36: {  	[hbm4b:s13+s5] =	stream.strided.scatter [tilespmem:s12], [sflag:$0x6], $0x1000, s11, s5, $0x38;
	[tilespmem:$0xB900] =	vst v63  }
0x37: {  	s20 =	simm.s32 $0x2;
	s16 =	sadd.s32 $0x4, s13  }
0x38: {  	[hbm4b:s16+s5] =	stream.strided.scatter [tilespmem:s19], [sflag:$0x6], $0x1000, s11, s5, $0x38;
	[tilespmem:$0xB900] =	vst v63  }
0x39: {  	_ =	swait.ge [sflag:s20], $0x1000  }
0x3a: {  	[sflag:s20] =	ssyncset.done $0x0  }
0x3b: {  	[sflag:s20] =	ssyncadd.s32 $0xFFFFF000  }
0x3c: {  	_ =	swait.ge [sflag:s20], $0x1000  }
0x3d: {  	[sflag:s20] =	ssyncset.done $0x0  }
0x3e: {  	s14 =	rddreg [dreg:$0xd];
	[sflag:s20] =	ssyncadd.s32 $0xFFFFF000  }
0x3f: {  	[hbm4b:s14+s5] =	stream.strided.scatter [tilespmem:s21], [sflag:$0x7], $0x1000, s11, s5, $0x38;
	[tilespmem:$0xB900] =	vst v63  }
0x40: {  	s29 =	sadd.s32 $0x4, s14  }
0x41: {  	[hbm4b:s29+s5] =	stream.strided.scatter [tilespmem:s22], [sflag:$0x7], $0x1000, s11, s5, $0x38;
	[tilespmem:$0xB900] =	vst v63  }
0x42: {  	_ =	swait.ge [sflag:s26], $0x1000  }
0x43: {  	[sflag:s26] =	ssyncset.done $0x0  }
0x44: {  	[sflag:s26] =	ssyncadd.s32 $0xFFFFF000  }
0x45: {  	_ =	swait.ge [sflag:s26], $0x1000  }
0x46: {  	[sflag:s26] =	ssyncset.done $0x0  }
0x47: {  	s20 =	rddreg [dreg:$0xc];
	[sflag:s26] =	ssyncadd.s32 $0xFFFFF000  }
0x48: {  	[hbm4b:s20+s5] =	stream.strided.scatter [tilespmem:s24], [sflag:$0x8], $0x1000, s11, s5, $0x38;
	[tilespmem:$0xB900] =	vst v63  }
0x49: {  	s31 =	sadd.s32 $0x4, s20  }
0x4a: {  	[hbm4b:s31+s5] =	stream.strided.scatter [tilespmem:s25], [sflag:$0x8], $0x1000, s11, s5, $0x38;
	[tilespmem:$0xB900] =	vst v63  }
0x4b: {  	_ =	swait.ge [sflag:s30], $0x1000  }
0x4c: {  	[sflag:s30] =	ssyncset.done $0x0  }
0x4d: {  	[sflag:s30] =	ssyncadd.s32 $0xFFFFF000  }
0x4e: {  	_ =	swait.ge [sflag:s30], $0x1000  }
0x4f: {  	[sflag:s30] =	ssyncset.done $0x0  }
0x50: {  	s16 =	rddreg [dreg:$0xb];
	[sflag:s30] =	ssyncadd.s32 $0xFFFFF000  }
0x51: {  	[hbm4b:s16+s5] =	stream.strided.scatter [tilespmem:s1], [sflag:$0x9], $0x1000, s11, s5, $0x38;
	[tilespmem:$0xB900] =	vst v63  }
0x52: {  	s15 =	sadd.s32 $0x4, s16  }
0x53: {  	[hbm4b:s15+s5] =	stream.strided.scatter [tilespmem:s0], [sflag:$0x9], $0x1000, s11, s5, $0x38;
	[tilespmem:$0xB900] =	vst v63  }
0x54: {  	_ =	swait.ge [sflag:s2], $0x1000  }
0x55: {  	[sflag:s2] =	ssyncset.done $0x0  }
0x56: {  	[sflag:s2] =	ssyncadd.s32 $0xFFFFF000  }
0x57: {  	_ =	swait.ge [sflag:s2], $0x1000  }
0x58: {  	[sflag:s2] =	ssyncset.done $0x0  }
0x59: {  	s15 =	rddreg [dreg:$0xa];
	[sflag:s2] =	ssyncadd.s32 $0xFFFFF000  }
0x5a: {  	[hbm4b:s15+s5] =	stream.strided.scatter [tilespmem:s23], [sflag:$0xA], $0x1000, s11, s5, $0x38;
	[tilespmem:$0xB900] =	vst v63  }
0x5b: {  	s29 =	sadd.s32 $0x4, s15  }
0x5c: {  	[hbm4b:s29+s5] =	stream.strided.scatter [tilespmem:s28], [sflag:$0xA], $0x1000, s11, s5, $0x38;
	[tilespmem:$0xB900] =	vst v63  }
0x5d: {  	_ =	swait.ge [sflag:s17], $0x1000  }
0x5e: {  	[sflag:s17] =	ssyncset.done $0x0  }
0x5f: {  	[sflag:s17] =	ssyncadd.s32 $0xFFFFF000  }
0x60: {  	_ =	swait.ge [sflag:s17], $0x1000  }
0x61: {  	[sflag:s17] =	ssyncset.done $0x0  }
0x62: {  	s31 =	simm.s32 $0x280;
	[sflag:s17] =	ssyncadd.s32 $0xFFFFF000  }
0x63: {  	[tilespmem:s12], [sflag:$0x1] =	stream.indirect.gather [hbm4b:s3+s18], $0x20, s31, s18, $0xb8;
	[tilespmem:$0xB900] =	vst v63  }
0x64: {  	_ = 	snop  }
0x65: {  	[tilespmem:s19], [sflag:$0x1] =	stream.indirect.gather [hbm4b:s4+s18], $0x20, s31, s18, $0xb8;
	[tilespmem:$0xB900] =	vst v63  }
0x66: {  	_ =	swait.ge [sflag:s6], $0x1000  }
0x67: {  	[sflag:s6] =	ssyncset.done $0x0  }
0x68: {  	[sflag:s6] =	ssyncadd.s32 $0xFFFFF000  }
0x69: {  	_ =	swait.ge [sflag:s6], $0x1000  }
0x6a: {  	[sflag:s6] =	ssyncset.done $0x0  }
0x6b: {  	s28 =	simm.s32 $0x300;
	[sflag:s6] =	ssyncadd.s32 $0xFFFFF000  }
0x6c: {  	[tilespmem:s21], [sflag:$0x2] =	stream.indirect.gather [hbm4b:s3+s18], $0x20, s28, s18, $0xb8;
	[tilespmem:$0xB900] =	vst v63  }
0x6d: {  	_ = 	snop  }
0x6e: {  	[tilespmem:s22], [sflag:$0x2] =	stream.indirect.gather [hbm4b:s4+s18], $0x20, s28, s18, $0xb8;
	[tilespmem:$0xB900] =	vst v63  }
0x6f: {  	_ =	swait.ge [sflag:s7], $0x1000  }
0x70: {  	[sflag:s7] =	ssyncset.done $0x0  }
0x71: {  	[sflag:s7] =	ssyncadd.s32 $0xFFFFF000  }
0x72: {  	_ =	swait.ge [sflag:s7], $0x1000  }
0x73: {  	[sflag:s7] =	ssyncset.done $0x0  }
0x74: {  	s29 =	simm.s32 $0x380;
	[sflag:s7] =	ssyncadd.s32 $0xFFFFF000  }
0x75: {  	[tilespmem:s24], [sflag:$0x3] =	stream.indirect.gather [hbm4b:s3+s18], $0x20, s29, s18, $0xb8;
	[tilespmem:$0xB900] =	vst v63  }
0x76: {  	_ = 	snop  }
0x77: {  	[tilespmem:s25], [sflag:$0x3] =	stream.indirect.gather [hbm4b:s4+s18], $0x20, s29, s18, $0xb8;
	[tilespmem:$0xB900] =	vst v63  }
0x78: {  	_ =	swait.ge [sflag:s8], $0x1000  }
0x79: {  	[sflag:s8] =	ssyncset.done $0x0  }
0x7a: {  	[sflag:s8] =	ssyncadd.s32 $0xFFFFF000  }
0x7b: {  	_ =	swait.ge [sflag:s8], $0x1000  }
0x7c: {  	[sflag:s8] =	ssyncset.done $0x0  }
0x7d: {  	s31 =	simm.s32 $0x400;
	[sflag:s8] =	ssyncadd.s32 $0xFFFFF000  }
0x7e: {  	[tilespmem:s1], [sflag:$0x4] =	stream.indirect.gather [hbm4b:s3+s18], $0x20, s31, s18, $0xb8;
	[tilespmem:$0xB900] =	vst v63  }
0x7f: {  	_ = 	snop  }
0x80: {  	[tilespmem:s0], [sflag:$0x4] =	stream.indirect.gather [hbm4b:s4+s18], $0x20, s31, s18, $0xb8;
	[tilespmem:$0xB900] =	vst v63  }
0x81: {  	_ =	swait.ge [sflag:s9], $0x1000  }
0x82: {  	[sflag:s9] =	ssyncset.done $0x0  }
0x83: {  	s13 =	sadd.s32 $0x1400, s13;
	[sflag:s9] =	ssyncadd.s32 $0xFFFFF000  }
0x84: {  	s14 =	sadd.s32 $0x1400, s14;
	s10 =	sadd.s32 $0x1400, s20;
	_ =	swait.ge [sflag:s9], $0x1000  }
0x85: {  	s16 =	sadd.s32 $0x1400, s16;
	s15 =	sadd.s32 $0x1400, s15;
	[sflag:s9] =	ssyncset.done $0x0  }
0x86: {  	s12 =	simm.s32 $0xA00;
	s19 =	simm.s32 $0x480;
	[sflag:s9] =	ssyncadd.s32 $0xFFFFF000  }
0x87: {  	[tilespmem:s23], [sflag:$0x5] =	stream.indirect.gather [hbm4b:s3+s18], $0x20, s19, s18, $0xb8;
	[tilespmem:$0xB900] =	vst v63  }
.LBB2_2:
0x88: {  	s22 =	simm.s32 $0xA900  }
0x89: {  	[tilespmem:s22], [sflag:$0x5] =	stream.indirect.gather [hbm4b:s4+s18], $0x20, s19, s18, $0xb8;
	[tilespmem:$0xB900] =	vst v63  }
0x8a: {  	s0 =	simm.s32 $0x1;
	s19 =	smov.u32 s12  }
0x8b: {  	p0 =	sne.s32 s12, $0x5000;
	s12 =	sadd.s32 $0xA00, s12;
	_ =	swait.ge [sflag:s0], $0x1000  }
0x8c: {  	[sflag:s0] =	ssyncset.done $0x0  }
0x8d: {  	[sflag:s0] =	ssyncadd.s32 $0xFFFFF000  }
0x8e: {  	_ =	swait.ge [sflag:s0], $0x1000  }
0x8f: {  	[sflag:s0] =	ssyncset.done $0x0  }
0x90: {  	s21 =	simm.s32 $0x1900;
	[sflag:s0] =	ssyncadd.s32 $0xFFFFF000  }
0x91: {  	[hbm4b:s13+s5] =	stream.strided.scatter [tilespmem:s21], [sflag:$0x6], $0x1000, s11, s5, $0x38;
	[tilespmem:$0xB900] =	vst v63  }
0x92: {  	s20 =	sadd.s32 $0x4, s13;
	s24 =	simm.s32 $0x6900;
	s0 =	simm.s32 $0x2  }
0x93: {  	[hbm4b:s20+s5] =	stream.strided.scatter [tilespmem:s24], [sflag:$0x6], $0x1000, s11, s5, $0x38;
	[tilespmem:$0xB900] =	vst v63  }
0x94: {  	_ =	swait.ge [sflag:s0], $0x1000  }
0x95: {  	[sflag:s0] =	ssyncset.done $0x0  }
0x96: {  	[sflag:s0] =	ssyncadd.s32 $0xFFFFF000  }
0x97: {  	_ =	swait.ge [sflag:s0], $0x1000  }
0x98: {  	[sflag:s0] =	ssyncset.done $0x0  }
0x99: {  	s25 =	simm.s32 $0x2900;
	[sflag:s0] =	ssyncadd.s32 $0xFFFFF000  }
0x9a: {  	[hbm4b:s14+s5] =	stream.strided.scatter [tilespmem:s25], [sflag:$0x7], $0x1000, s11, s5, $0x38;
	[tilespmem:$0xB900] =	vst v63  }
0x9b: {  	s28 =	simm.s32 $0x7900;
	s20 =	sadd.s32 $0x4, s14  }
0x9c: {  	[hbm4b:s20+s5] =	stream.strided.scatter [tilespmem:s28], [sflag:$0x7], $0x1000, s11, s5, $0x38;
	[tilespmem:$0xB900] =	vst v63  }
0x9d: {  	_ =	swait.ge [sflag:s26], $0x1000  }
0x9e: {  	[sflag:s26] =	ssyncset.done $0x0  }
0x9f: {  	[sflag:s26] =	ssyncadd.s32 $0xFFFFF000  }
0xa0: {  	_ =	swait.ge [sflag:s26], $0x1000  }
0xa1: {  	[sflag:s26] =	ssyncset.done $0x0  }
0xa2: {  	s29 =	simm.s32 $0x3900;
	[sflag:s26] =	ssyncadd.s32 $0xFFFFF000  }
0xa3: {  	[hbm4b:s10+s5] =	stream.strided.scatter [tilespmem:s29], [sflag:$0x8], $0x1000, s11, s5, $0x38;
	[tilespmem:$0xB900] =	vst v63  }
0xa4: {  	s31 =	simm.s32 $0x8900;
	s20 =	sadd.s32 $0x4, s10  }
0xa5: {  	[hbm4b:s20+s5] =	stream.strided.scatter [tilespmem:s31], [sflag:$0x8], $0x1000, s11, s5, $0x38;
	[tilespmem:$0xB900] =	vst v63  }
0xa6: {  	_ =	swait.ge [sflag:s30], $0x1000  }
0xa7: {  	[sflag:s30] =	ssyncset.done $0x0  }
0xa8: {  	[sflag:s30] =	ssyncadd.s32 $0xFFFFF000  }
0xa9: {  	_ =	swait.ge [sflag:s30], $0x1000  }
0xaa: {  	[sflag:s30] =	ssyncset.done $0x0  }
0xab: {  	s1 =	simm.s32 $0x4900;
	[sflag:s30] =	ssyncadd.s32 $0xFFFFF000  }
0xac: {  	[hbm4b:s16+s5] =	stream.strided.scatter [tilespmem:s1], [sflag:$0x9], $0x1000, s11, s5, $0x38;
	[tilespmem:$0xB900] =	vst v63  }
0xad: {  	s0 =	simm.s32 $0x9900;
	s20 =	sadd.s32 $0x4, s16  }
0xae: {  	[hbm4b:s20+s5] =	stream.strided.scatter [tilespmem:s0], [sflag:$0x9], $0x1000, s11, s5, $0x38;
	[tilespmem:$0xB900] =	vst v63  }
0xaf: {  	_ =	swait.ge [sflag:s2], $0x1000  }
0xb0: {  	[sflag:s2] =	ssyncset.done $0x0  }
0xb1: {  	[sflag:s2] =	ssyncadd.s32 $0xFFFFF000  }
0xb2: {  	_ =	swait.ge [sflag:s2], $0x1000  }
0xb3: {  	[sflag:s2] =	ssyncset.done $0x0  }
0xb4: {  	s23 =	simm.s32 $0x5900;
	[sflag:s2] =	ssyncadd.s32 $0xFFFFF000  }
0xb5: {  	[hbm4b:s15+s5] =	stream.strided.scatter [tilespmem:s23], [sflag:$0xA], $0x1000, s11, s5, $0x38;
	[tilespmem:$0xB900] =	vst v63  }
0xb6: {  	s20 =	sadd.s32 $0x4, s15  }
0xb7: {  	[hbm4b:s20+s5] =	stream.strided.scatter [tilespmem:s22], [sflag:$0xA], $0x1000, s11, s5, $0x38;
	[tilespmem:$0xB900] =	vst v63  }
0xb8: {  	_ =	swait.ge [sflag:s17], $0x1000  }
0xb9: {  	[sflag:s17] =	ssyncset.done $0x0  }
0xba: {  	[sflag:s17] =	ssyncadd.s32 $0xFFFFF000  }
0xbb: {  	_ =	swait.ge [sflag:s17], $0x1000  }
0xbc: {  	s19 =	sshra.s32 s19, $0x2;
	[sflag:s17] =	ssyncset.done $0x0  }
0xbd: {  	s20 =	sadd.s32 $0x280, s19;
	s22 =	simm.s32 $0x1900;
	[sflag:s17] =	ssyncadd.s32 $0xFFFFF000  }
0xbe: {  	[tilespmem:s21], [sflag:$0x1] =	stream.indirect.gather [hbm4b:s3+s18], $0x20, s20, s18, $0xb8;
	[tilespmem:$0xB900] =	vst v63  }
0xbf: {  	s21 =	simm.s32 $0x6900  }
0xc0: {  	[tilespmem:s24], [sflag:$0x1] =	stream.indirect.gather [hbm4b:s4+s18], $0x20, s20, s18, $0xb8;
	[tilespmem:$0xB900] =	vst v63  }
0xc1: {  	_ =	swait.ge [sflag:s6], $0x1000  }
0xc2: {  	[sflag:s6] =	ssyncset.done $0x0  }
0xc3: {  	[sflag:s6] =	ssyncadd.s32 $0xFFFFF000  }
0xc4: {  	_ =	swait.ge [sflag:s6], $0x1000  }
0xc5: {  	[sflag:s6] =	ssyncset.done $0x0  }
0xc6: {  	s20 =	sadd.s32 $0x300, s19;
	s24 =	simm.s32 $0x2900;
	[sflag:s6] =	ssyncadd.s32 $0xFFFFF000  }
0xc7: {  	[tilespmem:s25], [sflag:$0x2] =	stream.indirect.gather [hbm4b:s3+s18], $0x20, s20, s18, $0xb8;
	[tilespmem:$0xB900] =	vst v63  }
0xc8: {  	s25 =	simm.s32 $0x7900  }
0xc9: {  	[tilespmem:s28], [sflag:$0x2] =	stream.indirect.gather [hbm4b:s4+s18], $0x20, s20, s18, $0xb8;
	[tilespmem:$0xB900] =	vst v63  }
0xca: {  	_ =	swait.ge [sflag:s7], $0x1000  }
0xcb: {  	[sflag:s7] =	ssyncset.done $0x0  }
0xcc: {  	[sflag:s7] =	ssyncadd.s32 $0xFFFFF000  }
0xcd: {  	_ =	swait.ge [sflag:s7], $0x1000  }
0xce: {  	[sflag:s7] =	ssyncset.done $0x0  }
0xcf: {  	s20 =	sadd.s32 $0x380, s19;
	s28 =	simm.s32 $0x3900;
	[sflag:s7] =	ssyncadd.s32 $0xFFFFF000  }
0xd0: {  	[tilespmem:s29], [sflag:$0x3] =	stream.indirect.gather [hbm4b:s3+s18], $0x20, s20, s18, $0xb8;
	[tilespmem:$0xB900] =	vst v63  }
0xd1: {  	s29 =	simm.s32 $0x8900  }
0xd2: {  	[tilespmem:s31], [sflag:$0x3] =	stream.indirect.gather [hbm4b:s4+s18], $0x20, s20, s18, $0xb8;
	[tilespmem:$0xB900] =	vst v63  }
0xd3: {  	_ =	swait.ge [sflag:s8], $0x1000  }
0xd4: {  	[sflag:s8] =	ssyncset.done $0x0  }
0xd5: {  	[sflag:s8] =	ssyncadd.s32 $0xFFFFF000  }
0xd6: {  	_ =	swait.ge [sflag:s8], $0x1000  }
0xd7: {  	[sflag:s8] =	ssyncset.done $0x0  }
0xd8: {  	s20 =	sadd.s32 $0x400, s19;
	s31 =	simm.s32 $0x4900;
	[sflag:s8] =	ssyncadd.s32 $0xFFFFF000  }
0xd9: {  	[tilespmem:s1], [sflag:$0x4] =	stream.indirect.gather [hbm4b:s3+s18], $0x20, s20, s18, $0xb8;
	[tilespmem:$0xB900] =	vst v63  }
0xda: {  	s1 =	simm.s32 $0x9900  }
0xdb: {  	[tilespmem:s0], [sflag:$0x4] =	stream.indirect.gather [hbm4b:s4+s18], $0x20, s20, s18, $0xb8;
	[tilespmem:$0xB900] =	vst v63  }
0xdc: {  	_ =	swait.ge [sflag:s9], $0x1000  }
0xdd: {  	[sflag:s9] =	ssyncset.done $0x0  }
0xde: {  	[sflag:s9] =	ssyncadd.s32 $0xFFFFF000  }
.Ltmp0:
0xdf: {  	_ =	swait.ge [sflag:s9], $0x1000;
	(pc) =	sbr.rel @p0 .LBB2_2-.Ltmp0, $4  }
0xe0: {  	s13 =	sadd.s32 $0x1400, s13;
	s14 =	sadd.s32 $0x1400, s14;
	[sflag:s9] =	ssyncset.done $0x0  }
0xe1: {  	s19 =	sadd.s32 $0x480, s19;
	s0 =	simm.s32 $0x5900;
	[sflag:s9] =	ssyncadd.s32 $0xFFFFF000  }
0xe2: {  	[tilespmem:s23], [sflag:$0x5] =	stream.indirect.gather [hbm4b:s3+s18], $0x20, s19, s18, $0xb8;
	[tilespmem:$0xB900] =	vst v63  }
0xe3: {  	s10 =	sadd.s32 $0x1400, s10;
	s16 =	sadd.s32 $0x1400, s16;
	s15 =	sadd.s32 $0x1400, s15  }
0xe4: {  	s12 =	simm.s32 $0xA900;
	s10 =	simm.s32 $0x1  }
0xe5: {  	[tilespmem:s12], [sflag:$0x5] =	stream.indirect.gather [hbm4b:s4+s18], $0x20, s19, s18, $0xb8;
	[tilespmem:$0xB900] =	vst v63  }
0xe6: {  	_ =	swait.ge [sflag:s10], $0x1000  }
0xe7: {  	[sflag:s10] =	ssyncset.done $0x0  }
0xe8: {  	[sflag:s10] =	ssyncadd.s32 $0xFFFFF000  }
0xe9: {  	_ =	swait.ge [sflag:s10], $0x1000  }
0xea: {  	[sflag:s10] =	ssyncset.done $0x0  }
0xeb: {  	s20 =	rddreg [dreg:$0x4];
	[sflag:s10] =	ssyncadd.s32 $0xFFFFF000  }
0xec: {  	[hbm4b:s20+s5] =	stream.strided.scatter [tilespmem:s22], [sflag:$0x6], $0x1000, s11, s5, $0x38;
	[tilespmem:$0xB900] =	vst v63  }
0xed: {  	s10 =	sadd.s32 $0x4, s20;
	s22 =	simm.s32 $0x2  }
0xee: {  	[hbm4b:s10+s5] =	stream.strided.scatter [tilespmem:s21], [sflag:$0x6], $0x1000, s11, s5, $0x38;
	[tilespmem:$0xB900] =	vst v63  }
0xef: {  	_ =	swait.ge [sflag:s22], $0x1000  }
0xf0: {  	[sflag:s22] =	ssyncset.done $0x0  }
0xf1: {  	[sflag:s22] =	ssyncadd.s32 $0xFFFFF000  }
0xf2: {  	_ =	swait.ge [sflag:s22], $0x1000  }
0xf3: {  	[sflag:s22] =	ssyncset.done $0x0  }
0xf4: {  	s23 =	rddreg [dreg:$0x5];
	[sflag:s22] =	ssyncadd.s32 $0xFFFFF000  }
0xf5: {  	[hbm4b:s23+s5] =	stream.strided.scatter [tilespmem:s24], [sflag:$0x7], $0x1000, s11, s5, $0x38;
	[tilespmem:$0xB900] =	vst v63  }
0xf6: {  	s10 =	sadd.s32 $0x4, s23  }
0xf7: {  	[hbm4b:s10+s5] =	stream.strided.scatter [tilespmem:s25], [sflag:$0x7], $0x1000, s11, s5, $0x38;
	[tilespmem:$0xB900] =	vst v63  }
0xf8: {  	_ =	swait.ge [sflag:s26], $0x1000  }
0xf9: {  	[sflag:s26] =	ssyncset.done $0x0  }
0xfa: {  	[sflag:s26] =	ssyncadd.s32 $0xFFFFF000  }
0xfb: {  	_ =	swait.ge [sflag:s26], $0x1000  }
0xfc: {  	[sflag:s26] =	ssyncset.done $0x0  }
0xfd: {  	s24 =	rddreg [dreg:$0x6];
	[sflag:s26] =	ssyncadd.s32 $0xFFFFF000  }
0xfe: {  	[hbm4b:s24+s5] =	stream.strided.scatter [tilespmem:s28], [sflag:$0x8], $0x1000, s11, s5, $0x38;
	[tilespmem:$0xB900] =	vst v63  }
0xff: {  	s10 =	sadd.s32 $0x4, s24  }
0x100: {  	[hbm4b:s10+s5] =	stream.strided.scatter [tilespmem:s29], [sflag:$0x8], $0x1000, s11, s5, $0x38;
	[tilespmem:$0xB900] =	vst v63  }
0x101: {  	_ =	swait.ge [sflag:s30], $0x1000  }
0x102: {  	[sflag:s30] =	ssyncset.done $0x0  }
0x103: {  	[sflag:s30] =	ssyncadd.s32 $0xFFFFF000  }
0x104: {  	_ =	swait.ge [sflag:s30], $0x1000  }
0x105: {  	[sflag:s30] =	ssyncset.done $0x0  }
0x106: {  	s25 =	rddreg [dreg:$0x7];
	[sflag:s30] =	ssyncadd.s32 $0xFFFFF000  }
0x107: {  	[hbm4b:s25+s5] =	stream.strided.scatter [tilespmem:s31], [sflag:$0x9], $0x1000, s11, s5, $0x38;
	[tilespmem:$0xB900] =	vst v63  }
0x108: {  	s10 =	sadd.s32 $0x4, s25  }
0x109: {  	[hbm4b:s10+s5] =	stream.strided.scatter [tilespmem:s1], [sflag:$0x9], $0x1000, s11, s5, $0x38;
	[tilespmem:$0xB900] =	vst v63  }
0x10a: {  	_ =	swait.ge [sflag:s2], $0x1000  }
0x10b: {  	[sflag:s2] =	ssyncset.done $0x0  }
0x10c: {  	[sflag:s2] =	ssyncadd.s32 $0xFFFFF000  }
0x10d: {  	_ =	swait.ge [sflag:s2], $0x1000  }
0x10e: {  	[sflag:s2] =	ssyncset.done $0x0  }
0x10f: {  	s28 =	rddreg [dreg:$0x8];
	[sflag:s2] =	ssyncadd.s32 $0xFFFFF000  }
0x110: {  	[hbm4b:s28+s5] =	stream.strided.scatter [tilespmem:s0], [sflag:$0xA], $0x1000, s11, s5, $0x38;
	[tilespmem:$0xB900] =	vst v63  }
0x111: {  	s10 =	sadd.s32 $0x4, s28  }
0x112: {  	[hbm4b:s10+s5] =	stream.strided.scatter [tilespmem:s12], [sflag:$0xA], $0x1000, s11, s5, $0x38;
	[tilespmem:$0xB900] =	vst v63  }
0x113: {  	_ =	swait.ge [sflag:s17], $0x1000  }
0x114: {  	[sflag:s17] =	ssyncset.done $0x0  }
0x115: {  	[sflag:s17] =	ssyncadd.s32 $0xFFFFF000  }
0x116: {  	_ =	swait.ge [sflag:s17], $0x1000  }
0x117: {  	[sflag:s17] =	ssyncset.done $0x0  }
0x118: {  	[sflag:s17] =	ssyncadd.s32 $0xFFFFF000  }
0x119: {  	_ =	swait.ge [sflag:s6], $0x1000  }
0x11a: {  	[sflag:s6] =	ssyncset.done $0x0  }
0x11b: {  	[sflag:s6] =	ssyncadd.s32 $0xFFFFF000  }
0x11c: {  	_ =	swait.ge [sflag:s6], $0x1000  }
0x11d: {  	[sflag:s6] =	ssyncset.done $0x0  }
0x11e: {  	[sflag:s6] =	ssyncadd.s32 $0xFFFFF000  }
0x11f: {  	_ =	swait.ge [sflag:s7], $0x1000  }
0x120: {  	[sflag:s7] =	ssyncset.done $0x0  }
0x121: {  	[sflag:s7] =	ssyncadd.s32 $0xFFFFF000  }
0x122: {  	_ =	swait.ge [sflag:s7], $0x1000  }
0x123: {  	[sflag:s7] =	ssyncset.done $0x0  }
0x124: {  	[sflag:s7] =	ssyncadd.s32 $0xFFFFF000  }
0x125: {  	_ =	swait.ge [sflag:s8], $0x1000  }
0x126: {  	[sflag:s8] =	ssyncset.done $0x0  }
0x127: {  	[sflag:s8] =	ssyncadd.s32 $0xFFFFF000  }
0x128: {  	_ =	swait.ge [sflag:s8], $0x1000  }
0x129: {  	[sflag:s8] =	ssyncset.done $0x0  }
0x12a: {  	[sflag:s8] =	ssyncadd.s32 $0xFFFFF000  }
0x12b: {  	_ =	swait.ge [sflag:s9], $0x1000  }
0x12c: {  	[sflag:s9] =	ssyncset.done $0x0  }
0x12d: {  	[sflag:s9] =	ssyncadd.s32 $0xFFFFF000  }
0x12e: {  	_ =	swait.ge [sflag:s9], $0x1000  }
0x12f: {  	s29 =	rddreg [dreg:$0xf]  }
0x130: {  	s31 =	rddreg [dreg:$0x9];
	s0 =	sadd.s32 $0x1, s29  }
0x131: {  	p0 =	sne.s32 s0, s31  }
.Ltmp1:
0x132: {  	_ = 	snop;
	(pc) =	sbr.rel @p0 .LBB2_1-.Ltmp1, $3  }
0x133: {  	_ =	sdelay $0x1  }
0x134: {  	[sflag:s9] =	ssyncset.done $0x0  }
0x135: {  	[sflag:s9] =	ssyncadd.s32 $0xFFFFF000  }
0x136: {  	_ =	sfence.sel $0x180000  }
0x137: {  	[bflag:$0x0] =	sbarrier.arrive $0xFFFF  }
0x138: {  	_ =	strace $0x90000047  }
0x139: {  	s0 =	stileid.u32;
	[bflag:$0x2] =	sbarrier.arrive $0xFFFF  }
0x13a: {  	p0 =	sne.s32 s0, $0x0;
	s0 =	rddreg [dreg:$0x2]  }
0x13b: {  	s0 =	sadd.s32 @!p0 $0x100000, s0  }
0x13c: {  	[sflag:s0] =	ssyncadd.tile.s32 @!p0 $0x1;
	_ =	shalt  }
.Lfunc_end2:
_tile_overlayer_lowered:
.L_overlay_start_2:
0x13d: {  	(tag) =	ssettag $0x2  }
0x13e: {  	s0 =	rddreg [dreg:$0x0];
	s2 =	stileid.u32  }
0x13f: {  	s1 =	rddreg [dreg:$0x1];
	p0 =	sne.s32 s2, $0x0  }
0x140: {  	s3 =	rddreg [dreg:$0x2];
	[bflag:$0x3] =	sbarrier.arrive $0xFFFF;
	s2 =	simm.s32 @!p0 $0x1C0B  }
0x141: {  	[timem:s3], [sflag:s2] =	dma.local @!p0 [hbm:s0], s1  }
0x142: {  	s0 =	simm.s32 @!p0 $0xB  }
0x143: {  	_ =	swait.ge @!p0 [sflag:s0], s1  }
0x144: {  	s1 =	ssub.s32 @!p0 $0x0, s1;
	[sflag:s0] =	ssyncset.done @!p0 $0x0  }
0x145: {  	[sflag:s0] =	ssyncadd.s32 @!p0 s1  }
0x146: {  	[bflag:$0x3] =	sbarrier.arrive $0xFFFF  }
0x147: {  	_ =	shalt  }

// kernel: sparse-core-data-format-call.cloned.1.call-start
scs
called_computation_lowered:
.L_overlay_start_0:
0x0: {  	s2 =	sld [smem:$0x3FD9]  }
0x1: {  	s3 =	sld [smem:$0x3FFE];
	_ =	sdelay $0x1  }
0x2: {  	s1 =	srdreg.scid  }
0x3: {  	s0 =	sand.u32 $0x1, s1  }
0x4: {  	s18 =	sshll.u32 s0, $0xA;
	s2 =	sadd.s32 s3, s2  }
0x5: {  	s2 =	sadd.s32 s2, s18  }
0x6: {  	[smem:$0x3FC5] =	sst s2  }
0x7: {  	_ = 	snop  }
0x8: {  	s2 =	sld [smem:$0x3FD0];
	(tm) =	ssettm $0x1  }
0x9: {  	s19 =	sld [smem:$0x3FFB];
	_ =	sdelay $0x3  }
0xa: {  	_ =	strace s19  }
0xb: {  	s3 =	sld [smem:$0x3FFC];
	_ =	sdelay $0x3  }
0xc: {  	_ =	strace s3  }
0xd: {  	s3 =	sld [smem:$0x3FFD];
	_ =	sdelay $0x3  }
0xe: {  	_ =	strace s3  }
0xf: {  	_ =	strace $0x8FFFFFFF  }
0x10: {  	s20 =	sld [smem:$0x3FDB];
	_ =	sdelay $0x1  }
0x11: {  	s4 =	simm.s32 $_scs_section_size  }
0x12: {  	s5 =	simm.s32 $_size__tile_overlayer_lowered;
	s6 =	simm.s32 $_tile_overlayer_lowered  }
0x13: {  	s23 =	simm.s32 $0x1BFF;
	s22 =	sshll.u32 s6, $0x1;
	s3 =	sadd.s32 s4, s20  }
0x14: {  	s7 =	simm.s32 $0x0;
	s21 =	sshll.u32 s5, $0x1;
	s5 =	sadd.s32 s22, s3  }
0x15: {  	[timem:s7], [sflag:s23] =	dma.local [hbm:s5], s21  }
0x16: {  	_ =	swait.ge [sflag:s23], s21  }
0x17: {  	s4 =	ssub.s32 $0x0, s21;
	[sflag:s23] =	ssyncset.done $0x0  }
0x18: {  	[sflag:s23] =	ssyncadd.s32 s4;
	_ =	sdelay $0x1  }
0x19: {  	s24 =	simm.s32 $0x1B8B  }
0x1a: {  	_ =	swait.ge [sflag:s24], $0x1  }
0x1b: {  	[sflag:s24] =	ssyncset.done $0x0  }
0x1c: {  	s26 =	simm.s32 $0x1B8E;
	s25 =	sld [smem:$0x3FFE];
	[sflag:s24] =	ssyncadd.s32 $0xFFFFFFFF  }
0x1d: {  	s27 =	simm.s32 $execute0_lowered;
	[smem:$0x3FD2] =	sst s26  }
0x1e: {  	s5 =	sshll.u32 s27, $0x1;
	_ =	strace $0x80000049;
	[dreg:$0x1] =	wrdreg $0xFFFFFFFF  }
0x1f: {  	s28 =	simm.s32 $_size_execute0_lowered;
	s3 =	sadd.s32 s3, s5;
	[dreg:$0x0] =	wrdreg $0x0  }
0x20: {  	s5 =	sshll.u32 s28, $0x1;
	[dreg:$0x2] =	wrdreg s3  }
0x21: {  	[dreg:$0x3] =	wrdreg s5  }
0x22: {  	[dreg:$0x4] =	wrdreg $0xC0  }
0x23: {  	_ =	task [dreg:s7], $0x5FFFF  }
0x24: {  	[dreg:$0x1] =	wrdreg $0xFFFFFFFF  }
0x25: {  	[dreg:$0x0] =	wrdreg $0x60  }
0x26: {  	[dreg:$0x2] =	wrdreg s25  }
0x27: {  	[dreg:$0x3] =	wrdreg s2  }
0x28: {  	[dreg:$0x4] =	wrdreg $0x9  }
0x29: {  	_ =	task.clear_ibuf [dreg:s7], $0x5FFFF;
	_ =	strace $0x90000049  }
0x2a: {  	s29 =	simm.s32 $0x9;
	_ =	strace $0x8000004B  }
0x2b: {  	_ =	swait.ge [sflag:s29], $0x1  }
0x2c: {  	[sflag:s29] =	ssyncadd.s32 $0xFFFFFFFF  }
0x2d: {  	_ =	strace $0x9000004B  }
0x2e: {  	_ =	sfence  }
0x2f: {  	s30 =	sld [smem:$0x0];
	_ =	sdelay $0x2  }
0x30: {  	s31 =	sshll.u32 s1, $0xD;
	s1 =	sshrl.u32 s1, $0x2  }
0x31: {  	s3 =	sand.u32 $0x4000, s31;
	s1 =	sadd.s32 s1, s30  }
0x32: {  	s0 =	sor.u32 s3, s0;
	s1 =	sshll.u32 s1, $0x11  }
0x33: {  	s0 =	sor.u32 s1, s0  }
0x34: {  	s0 =	sadd.s32 $0x8F2B, s0  }
0x35: {  	[sflag:s0] =	ssyncadd.remote.s32 $0x1  }
0x36: {  	_ =	sfence.sel $0xFFFF  }
0x37: {  	[dreg:$0x0] =	wrdreg $0xFFFFFFFF;
	(pc) =	sbr.abs _section_cstart, $3  }
0x38: {  	[dreg:$0x1] =	wrdreg $0xFFFFFFFF  }
0x39: {  	_ =	task.clear_ibuf [dreg:s7], $0x2FFFF;
	_ =	strace $0x9FFFFFFF  }
0x3a: {  	(tm) =	ssettm $0x7FFFFFFF  }
0x3b: {  	_ =	shalt  }
tec
execute0_lowered:
.L_overlay_start_1:
0x0: {  	(tag) =	ssettag $0x1  }
0x1: {  	s0 =	srdreg.scid  }
0x2: {  	s1 =	sshll.u32 s0, $0x4  }
0x3: {  	s4 =	rddreg [dreg:$0x0];
	s0 =	stileid.u32;
	s1 =	sand.u32 $0x10, s1  }
0x4: {  	s2 =	rddreg [dreg:$0x1];
	s7 =	simm.s32 $0x1;
	s1 =	sor.u32 s0, s1  }
0x5: {  	s8 =	simm.s32 $0x2;
	s11 =	simm.s32 $0x0;
	s3 =	sshll.u32 s1, $0x7  }
0x6: {  	s10 =	simm.s32 $0x0;
	s4 =	sadd.s32 $0xA00, s4;
	s6 =	ssub.s32 $0x32000, s3  }
.Ltmp0:
0x7: {  	s1 =	rddreg [dreg:$0x2];
	s5 =	sand.u32 $0xF80, s6;
	(pc) =	sbr.rel .LBB1_1-.Ltmp0, $4  }
0x8: {  	_ =	strace $0x8000004A;
	s9 =	smov.u32 s3;
	p0 =	sne.s32 s5, $0x0  }
0x9: {  	s6 =	sshrl.u32 s6, $0xC;
	s5 =	simm.s32 $0x1;
	s7 =	simm.s32 @!p0 $0x0  }
0xa: {  	[sflag:s5] =	ssyncpa.u1 $0x0;
	p0 =	por $0x0, $0x0;
	s6 =	sadd.s32 s7, s6  }
0xb: {  	[sflag:s8] =	ssyncpa.u1 $0x0;
	s8 =	simm.s32 $0x190000;
	s7 =	sadd.s32 $0x1, s6  }
.LBB1_4:
0xc: {  	s14 =	sshll.u32 s11, $0x3  }
0xd: {  	s30 =	sand.u32 $0x7F, s11;
	s15 =	sand.u32 $0xFFFFFC00, s14  }
0xe: {  	s11 =	sor.u32 s30, s15  }
0xf: {  	s15 =	smulhi.u32 $0x51EB851F, s11  }
0x10: {  	s14 =	smulhi.u32 $0x51EB851F, s14  }
0x11: {  	s15 =	sshrl.u32 s15, $0x10  }
0x12: {  	s14 =	sshrl.u32 s14, $0x10;
	s15 =	smul.u32 $0x32000, s15  }
0x13: {  	s14 =	sand.u32 $0x3F, s14  }
0x14: {  	s14 =	smul.u32 $0x6400, s14;
	s11 =	ssub.s32 s11, s15  }
0x15: {  	[tilespmem:s13+$0x810 ss:$0x81] =	vst.msk $0xffff, v2;
	s15 =	sand.u32 $0x7, s11  }
0x16: {  	[tilespmem:s13+$0x1020 ss:$0x81] =	vst.msk $0xffff, v0;
	s14 =	sadd.s32 s2, s14;
	s11 =	sshrl.u32 s11, $0x3;
	s15 =	sshll.u32 s15, $0x12  }
0x17: {  	[tilespmem:s13+$0x0 ss:$0x81] =	vst.msk $0xffff, v1;
	s11 =	sadd.s32 s11, s14;
	s31 =	sor.u32 $0x400, s15  }
0x18: {  	[hbm4b:s11+s31] =	stream.strided.scatter [tilespmem:s12], [sflag:$0x2], $0x2000, s8, s31, $0x20;
	[tilespmem:$0x8080] =	vst v63  }
.LBB1_5:
0x19: {  	s13 =	sadd.s32 $0x1000, s9  }
0x1a: {  	p2 =	sgt.s32 s13, $0x31FFF  }
0x1b: {  	s13 =	smov.u32 @p2 s3;
	p2 =	sne.s32 s10, s7  }
.Ltmp1:
0x1c: {  	p1 =	slt.u32 s10, $0x2;
	(pc) =	sbr.rel @!p2 .LBB1_6-.Ltmp1, $4  }
0x1d: {  	s12 =	simm.s32 @!p1 $0x2  }
0x1e: {  	s14 =	sadd.s32 $0x1, s10;
	_ =	swait.ge @!p1 [sflag:s12], $0x2000  }
0x1f: {  	s11 =	smov.u32 s9;
	p0 =	por !p0, !p0;
	[sflag:s12] =	ssyncset.done @!p1 $0x0  }
0x20: {  	s10 =	smov.u32 s14;
	s9 =	smov.u32 s13;
	[sflag:s12] =	ssyncadd.s32 @!p1 $0xFFFFE000  }
.LBB1_1:
0x21: {  	p1 =	sge.u32 s10, s6  }
0x22: {  	s12 =	sand.u32 @!p1 $0x1FFFFFF, s9  }
0x23: {  	s13 =	smulhi.u32 @!p1 $0x147AE15, s12;
	_ =	sdelay $0x1  }
0x24: {  	s13 =	sshrl.u32 @!p1 s13, $0xA  }
0x25: {  	s13 =	smul.u32 @!p1 $0x32000, s13;
	_ =	sdelay $0x1  }
0x26: {  	s31 =	sadd.s32 $0xFFFFFFFF, s10;
	s14 =	sxor.u32 @!p1 $0xFFFFFFFF, s10;
	s12 =	ssub.s32 @!p1 s12, s13  }
0x27: {  	s15 =	simm.s32 @!p1 $0x80;
	s14 =	sshll.u32 @!p1 s14, $0xD;
	s12 =	sshll.u32 @!p1 s12, $0x4  }
0x28: {  	s13 =	sand.u32 @!p1 $0x2000, s14;
	s14 =	simm.s32 @!p1 $0x40;
	s12 =	sadd.s32 @!p1 s4, s12  }
0x29: {  	[tilespmem:s13], [sflag:$0x1] =	stream.strided.gather @!p1 [hbm4b:s12+s14], $0x2000, s15, s14, $0x38;
	[tilespmem:$0x8080] =	vst v63  }
0x2a: {  	p1 =	sge.u32 s31, s6  }
.Ltmp2:
0x2b: {  	_ = 	snop;
	(pc) =	sbr.rel @p1 .LBB1_5-.Ltmp2, $1  }
0x2c: {  	_ =	sdelay $0x3  }
0x2d: {  	s12 =	simm.s32 $0x1  }
0x2e: {  	_ =	swait.ge [sflag:s5], $0x2000;
	s12 =	simm.s32 @!p0 $0x0  }
0x2f: {  	[sflag:s5] =	ssyncset.done $0x0;
	s13 =	sshll.u32 s12, $0xD  }
0x30: {  	[sflag:s5] =	ssyncadd.s32 $0xFFFFE000;
	s16 =	sor.u32 $0x20, s13  }
0x31: {  	s12 =	smul.u32 $0x8100, s12;
	v3 =	vld [tilespmem:s16+$0x10]  }
0x32: {  	s30 =	sand.u32 $0x1, s10;
	v2 =	vld [tilespmem:s16+$0xFFFFFFF0]  }
0x33: {  	s13 =	smul.u32 $0x8100, s30;
	s12 =	sshrl.u32 s12, $0x2;
	v0 =	vld [tilespmem:s16+$0x0]  }
0x34: {  	v1 =	vld [tilespmem:s16+$0xFFFFFFE0];
	s14 =	sor.u32 $0x4000, s12  }
0x35: {  	s31 =	sshrl.u32 s13, $0x2;
	s13 =	sadd.s32 $0x0, s14  }
0x36: {  	s15 =	simm.s32 $0x4;
	s16 =	sadd.s32 $0x40, s16;
	s12 =	sor.u32 $0x4000, s31;
	[tilespmem:s13+$0x1830 ss:$0x81] =	vst.msk $0xffff, v3  }
.LBB1_3:
0x37: {  	v3 =	vld [tilespmem:s16+$0x10];
	p1 =	sne.s32 s15, $0x1FC;
	[tilespmem:s13+$0x810 ss:$0x81] =	vst.msk $0xffff, v2;
	s17 =	smov.u32 s15;
	s15 =	sadd.s32 $0x4, s15  }
.Ltmp3:
0x38: {  	v2 =	vld [tilespmem:s16+$0xFFFFFFF0];
	[tilespmem:s13+$0x1020 ss:$0x81] =	vst.msk $0xffff, v0;
	(pc) =	sbr.rel @p1 .LBB1_3-.Ltmp3, $4  }
0x39: {  	v0 =	vld [tilespmem:s16+$0x0];
	[tilespmem:s13+$0x0 ss:$0x81] =	vst.msk $0xffff, v1  }
0x3a: {  	s13 =	sshra.s32 s17, $0x2;
	v1 =	vld [tilespmem:s16+$0xFFFFFFE0]  }
0x3b: {  	s13 =	sadd.s32 s13, s14  }
0x3c: {  	s16 =	sadd.s32 $0x40, s16;
	[tilespmem:s13+$0x1830 ss:$0x81] =	vst.msk $0xffff, v3  }
.Ltmp4:
0x3d: {  	_ = 	snop;
	(pc) =	sbr.rel .LBB1_4-.Ltmp4, $1  }
0x3e: {  	_ =	sdelay $0x3  }
.LBB1_6:
0x3f: {  	_ =	sfence.sel $0x180000  }
0x40: {  	s2 =	simm.s32 $0x1;
	[bflag:$0x0] =	sbarrier.arrive $0xFFFF  }
0x41: {  	s31 =	simm.s32 $0x2;
	[sflag:s2] =	ssyncpa.u1 $0x1  }
0x42: {  	[sflag:s31] =	ssyncpa.u1 $0x1  }
0x43: {  	p0 =	sne.s32 s0, $0x0;
	_ =	strace $0x9000004A  }
0x44: {  	s0 =	sadd.s32 @!p0 $0x100000, s1;
	[bflag:$0x2] =	sbarrier.arrive $0xFFFF  }
0x45: {  	[sflag:s0] =	ssyncadd.tile.s32 @!p0 $0x1;
	_ =	shalt  }
.Lfunc_end1:
_tile_overlayer_lowered:
.L_overlay_start_2:
0x46: {  	(tag) =	ssettag $0x2  }
0x47: {  	s0 =	rddreg [dreg:$0x0];
	s2 =	stileid.u32  }
0x48: {  	s1 =	rddreg [dreg:$0x1];
	p0 =	sne.s32 s2, $0x0  }
0x49: {  	s3 =	rddreg [dreg:$0x2];
	[bflag:$0x3] =	sbarrier.arrive $0xFFFF;
	s2 =	simm.s32 @!p0 $0x1C01  }
0x4a: {  	[timem:s3], [sflag:s2] =	dma.local @!p0 [hbm:s0], s1  }
0x4b: {  	s0 =	simm.s32 @!p0 $0x1  }
0x4c: {  	_ =	swait.ge @!p0 [sflag:s0], s1  }
0x4d: {  	s1 =	ssub.s32 @!p0 $0x0, s1;
	[sflag:s0] =	ssyncset.done @!p0 $0x0  }
0x4e: {  	[sflag:s0] =	ssyncadd.s32 @!p0 s1  }
0x4f: {  	[bflag:$0x3] =	sbarrier.arrive $0xFFFF  }
0x50: {  	_ =	shalt  }

</sc_bundles>
